<compile_context>
chip_gen: v7x
topology: tpu7x:2x2x1
jax: 0.10.2.dev20260603
libtpu: 0.0.44.dev20260713+nightly
codegen_flags: <defaults>
</compile_context>

<pallas_src>
import dataclasses
import functools

import jax
import jax.numpy as jnp
from jax import lax
from jax.experimental import pallas as pl
from jax.experimental.pallas import tpu as pltpu
from jax.experimental.pallas import tpu_sc as plsc

N_NODES = 10000
N_PAD = 10240
FEAT = 128
NC, NS, LANES = 2, 16, 16
NW = NC * NS
CHUNK = 128
PHASE = 40
CH0 = 3 * PHASE
CH1 = 1 * PHASE
STRIPE = N_PAD // NS


def _sc_compiler_params():
    cp = pltpu.CompilerParams()
    if "needs_layout_passes" in pltpu.CompilerParams.__dataclass_fields__:
        cp = dataclasses.replace(cp, needs_layout_passes=False)
    return cp


def _spmm_sc(features, src_r, dst_r, w_r):
    mesh = plsc.VectorSubcoreMesh(core_axis_name="c", subcore_axis_name="s")

    @functools.partial(
        pl.kernel,
        out_type=jax.ShapeDtypeStruct((NC * N_PAD, FEAT), jnp.float32),
        mesh=mesh,
        scratch_types=[
            pltpu.VMEM((PHASE, CHUNK), jnp.int32),
            pltpu.VMEM((PHASE, CHUNK), jnp.int32),
            pltpu.VMEM((PHASE, CHUNK), jnp.float32),
            pltpu.VMEM((CHUNK, FEAT), jnp.float32),
            pltpu.VMEM((CHUNK, FEAT), jnp.float32),
            pltpu.VMEM_SHARED((N_PAD, FEAT), jnp.float32),
            pltpu.SemaphoreType.DMA,
            pltpu.SemaphoreType.DMA,
        ],
        compiler_params=_sc_compiler_params(),
    )
    def k(feat_hbm, src_hbm, dst_hbm, w_hbm, out_hbm,
          src_v, dst_v, w_v, rows_a, rows_b, gx_sh, sem_a, sem_b):
        cid = lax.axis_index("c")
        sid = lax.axis_index("s")
        base = pl.multiple_of(sid * STRIPE, 8)

        zero16 = jnp.zeros((LANES,), jnp.float32)

        @pl.loop(0, CHUNK)
        def _(r):
            for c in range(FEAT // LANES):
                rows_a[r, pl.ds(c * LANES, LANES)] = zero16

        @pl.loop(0, STRIPE // CHUNK)
        def _(t):
            off = pl.multiple_of(base + t * CHUNK, 8)
            pltpu.sync_copy(rows_a, gx_sh.at[pl.ds(off, CHUNK)])

        plsc.subcore_barrier()

        def scale_and_scatter(buf, j, jj):
            @pl.loop(0, CHUNK)
            def _(r):
                ridx = jnp.zeros((LANES,), jnp.int32) + r
                jidx = jnp.zeros((LANES,), jnp.int32) + jj
                wv = plsc.load_gather(w_v, [jidx, ridx])
                for c in range(FEAT // LANES):
                    sl = pl.ds(c * LANES, LANES)
                    buf[r, sl] = buf[r, sl] * wv

            pltpu.sync_copy(buf, gx_sh.at[dst_v.at[j]], add=True)

        def wait(buf, sem):
            pltpu.make_async_copy(
                feat_hbm.at[pl.ds(0, CHUNK)], buf, sem).wait()

        def pipeline(base_chunk, phases):
            for h in range(phases):
                start = base_chunk + h * PHASE
                pltpu.sync_copy(src_hbm.at[pl.ds(start, PHASE)], src_v)
                pltpu.sync_copy(dst_hbm.at[pl.ds(start, PHASE)], dst_v)
                pltpu.sync_copy(w_hbm.at[pl.ds(start, PHASE)], w_v)

                pltpu.async_copy(feat_hbm.at[src_v.at[0]], rows_a, sem_a)

                @pl.loop(0, PHASE // 2)
                def _(i):
                    j = 2 * i
                    pltpu.async_copy(feat_hbm.at[src_v.at[j + 1]], rows_b,
                                     sem_b)
                    wait(rows_a, sem_a)
                    scale_and_scatter(rows_a, j, j)

                    @pl.when(i < PHASE // 2 - 1)
                    def _():
                        pltpu.async_copy(feat_hbm.at[src_v.at[j + 2]],
                                         rows_a, sem_a)

                    wait(rows_b, sem_b)
                    scale_and_scatter(rows_b, j + 1, j + 1)

        @pl.when(cid == 0)
        def _():
            pipeline(sid * CH0, CH0 // PHASE)

        @pl.when(cid == 1)
        def _():
            pipeline(NS * CH0 + sid * CH1, CH1 // PHASE)

        plsc.subcore_barrier()

        @pl.loop(0, STRIPE // CHUNK)
        def _(t):
            off = pl.multiple_of(base + t * CHUNK, 8)
            hoff = pl.multiple_of(cid * N_PAD + base + t * CHUNK, 8)
            pltpu.sync_copy(gx_sh.at[pl.ds(off, CHUNK)],
                            out_hbm.at[pl.ds(hoff, CHUNK)])

    return k(features, src_r, dst_r, w_r)


def _dense_tc(features, g0, g1, W1, b1, W2, b2):
    w1t = W1.T
    w2t = W2.T
    bsum = (b1 + b2).reshape(1, FEAT)
    blk = 1000

    def body(x_ref, g0_ref, g1_ref, w1_ref, w2_ref, b_ref, o_ref):
        g = g0_ref[...] + g1_ref[...]
        x = x_ref[...]
        p = jnp.dot(g + x, w1_ref[...], preferred_element_type=jnp.float32)
        p = p + jnp.dot(g * x, w2_ref[...], preferred_element_type=jnp.float32)
        p = p + b_ref[...]
        o_ref[...] = jnp.where(p >= 0, p, 0.01 * p)

    return pl.pallas_call(
        body,
        grid=(N_NODES // blk,),
        in_specs=[
            pl.BlockSpec((blk, FEAT), lambda i: (i, 0)),
            pl.BlockSpec((blk, FEAT), lambda i: (i, 0)),
            pl.BlockSpec((blk, FEAT), lambda i: (i, 0)),
            pl.BlockSpec((FEAT, FEAT), lambda i: (0, 0)),
            pl.BlockSpec((FEAT, FEAT), lambda i: (0, 0)),
            pl.BlockSpec((1, FEAT), lambda i: (0, 0)),
        ],
        out_specs=pl.BlockSpec((blk, FEAT), lambda i: (i, 0)),
        out_shape=jax.ShapeDtypeStruct((N_NODES, FEAT), jnp.float32),
    )(features, g0, g1, w1t, w2t, bsum)


def kernel(features, edge_index, edge_weight, W1, b1, W2, b2):
    src = edge_index[0].astype(jnp.int32)
    dst = edge_index[1].astype(jnp.int32)
    w = edge_weight.astype(jnp.float32)
    n_edges = src.shape[0]
    cap_chunks = NS * (CH0 + CH1)
    assert cap_chunks * CHUNK >= n_edges, "edge capacity too small"
    pad = cap_chunks * CHUNK - n_edges
    src_r = jnp.pad(src, (0, pad)).reshape(cap_chunks, CHUNK)
    dst_r = jnp.pad(dst, (0, pad)).reshape(cap_chunks, CHUNK)
    w_r = jnp.pad(w, (0, pad)).reshape(cap_chunks, CHUNK)
    gx_flat = _spmm_sc(features, src_r, dst_r, w_r)
    g0 = gx_flat[:N_NODES]
    g1 = gx_flat[N_PAD:N_PAD + N_NODES]
    return _dense_tc(features, g0, g1, W1, b1, W2, b2)

# --- scband reference (transcript-rebuilt; emitter-appended) ---
"""Pipeline reference for scband-gcn-layer-30262339568119 (READ-ONLY COPY).

The authoritative reference and input builder live on the scoring server;
editing this copy changes nothing except your own understanding.
"""

import jax, jax.numpy as jnp
import numpy as np

N_NODES = 10000
N_EDGES = 320000
IN_F = 128
OUT_F = 128

def setup_inputs(seed: int = 0) -> dict:
    key = jax.random.key(seed)
    k1, k2, k3, k4, k5, k6, k7 = jax.random.split(key, 7)
    features = jax.random.normal(k1, (N_NODES, IN_F), dtype=jnp.float32)
    edge_index = jax.random.randint(k2, (2, N_EDGES), 0, N_NODES, dtype=jnp.int64)
    edge_weight = jax.random.uniform(k3, (N_EDGES,), dtype=jnp.float32)
    # Learned parameters (torch.nn.Linear: y = x @ W.T + b), Kaiming-uniform-ish init
    lim1 = 1.0 / np.sqrt(IN_F)
    W1 = jax.random.uniform(k4, (OUT_F, IN_F), dtype=jnp.float32, minval=-lim1, maxval=lim1)
    b1 = jax.random.uniform(k5, (OUT_F,), dtype=jnp.float32, minval=-lim1, maxval=lim1)
    W2 = jax.random.uniform(k6, (OUT_F, IN_F), dtype=jnp.float32, minval=-lim1, maxval=lim1)
    b2 = jax.random.uniform(k7, (OUT_F,), dtype=jnp.float32, minval=-lim1, maxval=lim1)
    return {"features": features, "edge_index": edge_index, "edge_weight": edge_weight,
            "W1": W1, "b1": b1, "W2": W2, "b2": b2}

def reference(features, edge_index, edge_weight, W1, b1, W2, b2):
    # graph is a sparse [N, N] matrix given in COO form (edge_index, edge_weight);
    # selfLoop is the identity, so (graph + selfLoop) @ X = graph @ X + X.
    N = features.shape[0]
    src = edge_index[0]
    dst = edge_index[1]
    # torch.sparse.mm(graph, features): scatter-add of weighted source features into dst rows
    msg = features[src] * edge_weight[:, None]
    gx = jax.ops.segment_sum(msg, dst, num_segments=N)
    part1 = (gx + features) @ W1.T + b1          # W1(sparse.mm(graph+selfLoop, features))
    part2 = (gx * features) @ W2.T + b2          # W2(sparse.mm(graph, features) * features)
    return jax.nn.leaky_relu(part1 + part2, negative_slope=0.01)

if __name__ == "__main__":
    import jax
    _d = setup_inputs()
    print(jax.jit(kernel)(*tuple(_d.values())))

</pallas_src>

<mosaic_0001>
#map = affine_map<(d0, d1) -> (0, 0)>
module attributes {stable_mosaic.version = 14 : i64} {
  func.func @k(%arg0: i32, %arg1: i32, %arg2: memref<10000x128xf32, #tpu.memory_space<hbm>>, %arg3: memref<2560x128xi32, #tpu.memory_space<hbm>>, %arg4: memref<2560x128xi32, #tpu.memory_space<hbm>>, %arg5: memref<2560x128xf32, #tpu.memory_space<hbm>>, %arg6: memref<20480x128xf32, #tpu.memory_space<hbm>>, %arg7: memref<40x128xi32, #tpu.memory_space<vmem>>, %arg8: memref<40x128xi32, #tpu.memory_space<vmem>>, %arg9: memref<40x128xf32, #tpu.memory_space<vmem>>, %arg10: memref<128x128xf32, #tpu.memory_space<vmem>>, %arg11: memref<128x128xf32, #tpu.memory_space<vmem>>, %arg12: memref<10240x128xf32, #tpu.memory_space<vmem_shared>>, %arg13: memref<!tpu.dma_semaphore, #tpu.memory_space<semaphore_mem>>, %arg14: memref<!tpu.dma_semaphore, #tpu.memory_space<semaphore_mem>>) attributes {dimension_semantics = [#tpu.dimension_semantics<core_parallel>, #tpu.dimension_semantics<subcore_parallel>], iteration_bounds = array<i64: 2, 16>, scalar_prefetch = 0 : i64, scratch_operands = 8 : i64, tpu.core_type = #tpu.core_type<sc_vector_subcore>, window_params = [{transform_indices = #map}, {transform_indices = #map}, {transform_indices = #map}, {transform_indices = #map}, {transform_indices = #map}]} {
    %mul3A = arith.constant 640 : i32
    %mul3A_0 = arith.muli %arg1, %mul3A : i32
    %multiple_of3A = tpu.assume_multiple %mul3A_0, 8 : i32
    %broadcast_in_dim3A = arith.constant 0.000000e+00 : f32
    %broadcast_in_dim3A_1 = vector.broadcast %broadcast_in_dim3A : f32 to vector<16xf32>
    %scan3A = arith.constant 0 : i32
    %scan3A_2 = arith.constant 128 : i32
    %scan3A_3 = arith.addi %scan3A, %scan3A_2 : i32
    %scan3A_4 = arith.constant 1 : i32
    scf.for %scan3A_24 = %scan3A to %scan3A_3 step %scan3A_4  : i32 {
      %mul3A_25 = arith.constant 1 : i32
      %mul3A_26 = arith.muli %scan3A_24, %mul3A_25 : i32
      %add3A = arith.constant 0 : i32
      %add3A_27 = arith.addi %add3A, %mul3A_26 : i32
      %swap3A = arith.index_cast %add3A_27 : i32 to index
      %swap3A_28 = arith.constant 0 : index
      %swap3A_29 = tpu.vector_load %arg10[%swap3A, %swap3A_28] {strides = array<i32>} : memref<128x128xf32, #tpu.memory_space<vmem>>, vector<16xf32>,
      tpu.vector_store %arg10[%swap3A, %swap3A_28], %broadcast_in_dim3A_1 {strides = array<i32>} : memref<128x128xf32, #tpu.memory_space<vmem>>, vector<16xf32>,
      %swap3A_30 = arith.index_cast %add3A_27 : i32 to index
      %swap3A_31 = arith.constant 16 : index
      %swap3A_32 = tpu.vector_load %arg10[%swap3A_30, %swap3A_31] {strides = array<i32>} : memref<128x128xf32, #tpu.memory_space<vmem>>, vector<16xf32>,
      tpu.vector_store %arg10[%swap3A_30, %swap3A_31], %broadcast_in_dim3A_1 {strides = array<i32>} : memref<128x128xf32, #tpu.memory_space<vmem>>, vector<16xf32>,
      %swap3A_33 = arith.index_cast %add3A_27 : i32 to index
      %swap3A_34 = arith.constant 32 : index
      %swap3A_35 = tpu.vector_load %arg10[%swap3A_33, %swap3A_34] {strides = array<i32>} : memref<128x128xf32, #tpu.memory_space<vmem>>, vector<16xf32>,
      tpu.vector_store %arg10[%swap3A_33, %swap3A_34], %broadcast_in_dim3A_1 {strides = array<i32>} : memref<128x128xf32, #tpu.memory_space<vmem>>, vector<16xf32>,
      %swap3A_36 = arith.index_cast %add3A_27 : i32 to index
      %swap3A_37 = arith.constant 48 : index
      %swap3A_38 = tpu.vector_load %arg10[%swap3A_36, %swap3A_37] {strides = array<i32>} : memref<128x128xf32, #tpu.memory_space<vmem>>, vector<16xf32>,
      tpu.vector_store %arg10[%swap3A_36, %swap3A_37], %broadcast_in_dim3A_1 {strides = array<i32>} : memref<128x128xf32, #tpu.memory_space<vmem>>, vector<16xf32>,
      %swap3A_39 = arith.index_cast %add3A_27 : i32 to index
      %swap3A_40 = arith.constant 64 : index
      %swap3A_41 = tpu.vector_load %arg10[%swap3A_39, %swap3A_40] {strides = array<i32>} : memref<128x128xf32, #tpu.memory_space<vmem>>, vector<16xf32>,
      tpu.vector_store %arg10[%swap3A_39, %swap3A_40], %broadcast_in_dim3A_1 {strides = array<i32>} : memref<128x128xf32, #tpu.memory_space<vmem>>, vector<16xf32>,
      %swap3A_42 = arith.index_cast %add3A_27 : i32 to index
      %swap3A_43 = arith.constant 80 : index
      %swap3A_44 = tpu.vector_load %arg10[%swap3A_42, %swap3A_43] {strides = array<i32>} : memref<128x128xf32, #tpu.memory_space<vmem>>, vector<16xf32>,
      tpu.vector_store %arg10[%swap3A_42, %swap3A_43], %broadcast_in_dim3A_1 {strides = array<i32>} : memref<128x128xf32, #tpu.memory_space<vmem>>, vector<16xf32>,
      %swap3A_45 = arith.index_cast %add3A_27 : i32 to index
      %swap3A_46 = arith.constant 96 : index
      %swap3A_47 = tpu.vector_load %arg10[%swap3A_45, %swap3A_46] {strides = array<i32>} : memref<128x128xf32, #tpu.memory_space<vmem>>, vector<16xf32>,
      tpu.vector_store %arg10[%swap3A_45, %swap3A_46], %broadcast_in_dim3A_1 {strides = array<i32>} : memref<128x128xf32, #tpu.memory_space<vmem>>, vector<16xf32>,
      %swap3A_48 = arith.index_cast %add3A_27 : i32 to index
      %swap3A_49 = arith.constant 112 : index
      %swap3A_50 = tpu.vector_load %arg10[%swap3A_48, %swap3A_49] {strides = array<i32>} : memref<128x128xf32, #tpu.memory_space<vmem>>, vector<16xf32>,
      tpu.vector_store %arg10[%swap3A_48, %swap3A_49], %broadcast_in_dim3A_1 {strides = array<i32>} : memref<128x128xf32, #tpu.memory_space<vmem>>, vector<16xf32>,
    }
    %scan3A_5 = arith.constant 128 : i32
    %scan3A_6 = arith.constant 0 : i32
    %scan3A_7 = arith.constant 5 : i32
    %scan3A_8 = arith.addi %scan3A_6, %scan3A_7 : i32
    %scan3A_9 = arith.constant 1 : i32
    scf.for %scan3A_24 = %scan3A_6 to %scan3A_8 step %scan3A_9  : i32 {
      %mul3A_25 = arith.constant 1 : i32
      %mul3A_26 = arith.muli %scan3A_24, %mul3A_25 : i32
      %add3A = arith.constant 0 : i32
      %add3A_27 = arith.addi %add3A, %mul3A_26 : i32
      %mul3A_28 = arith.constant 128 : i32
      %mul3A_29 = arith.muli %add3A_27, %mul3A_28 : i32
      %add3A_30 = arith.addi %multiple_of3A, %mul3A_29 : i32
      %multiple_of3A_31 = tpu.assume_multiple %add3A_30, 8 : i32
      "tpu.region"() ({
        %run_scoped3A = tpu.sem_alloc : memref<!tpu.dma_semaphore, #tpu.memory_space<semaphore_mem>>
        %dma_start3A = arith.constant 0 : i32
        %dma_start3A_32 = tpu.memref_slice %arg12[%multiple_of3A_31, %dma_start3A] : memref<10240x128xf32, #tpu.memory_space<vmem_shared>> -> memref<128x128xf32, #tpu.memory_space<vmem_shared>>
        %dma_start3A_33 = arith.constant 0 : i32
        %dma_start3A_34 = tpu.memref_slice %arg12[%multiple_of3A_31, %dma_start3A_33] : memref<10240x128xf32, #tpu.memory_space<vmem_shared>> -> memref<128x128xf32, #tpu.memory_space<vmem_shared>>
        tpu.enqueue_dma source(%arg10 : memref<128x128xf32, #tpu.memory_space<vmem>>) target(%dma_start3A_34 : memref<128x128xf32, #tpu.memory_space<vmem_shared>>) target_semaphore(%run_scoped3A : memref<!tpu.dma_semaphore, #tpu.memory_space<semaphore_mem>>)
        %dma_wait3A = arith.constant 0 : i32
        %dma_wait3A_35 = tpu.memref_slice %arg12[%multiple_of3A_31, %dma_wait3A] : memref<10240x128xf32, #tpu.memory_space<vmem_shared>> -> memref<128x128xf32, #tpu.memory_space<vmem_shared>>
        %dma_wait3A_36 = arith.constant 0 : i32
        %dma_wait3A_37 = tpu.memref_slice %arg12[%multiple_of3A_31, %dma_wait3A_36] : memref<10240x128xf32, #tpu.memory_space<vmem_shared>> -> memref<128x128xf32, #tpu.memory_space<vmem_shared>>
        tpu.wait_dma2 semaphore(%run_scoped3A : memref<!tpu.dma_semaphore, #tpu.memory_space<semaphore_mem>>) src(%arg10 : memref<128x128xf32, #tpu.memory_space<vmem>>) dst(%dma_wait3A_37 : memref<128x128xf32, #tpu.memory_space<vmem_shared>>)
        tpu.yield
      }) : () -> ()
    }
    %scan3A_10 = arith.constant 5 : i32
    %barrier3A = arith.constant 0 : index
    tpu.barrier barrier_id(%barrier3A)
    %eq3A = arith.constant 0 : i32
    %eq3A_11 = arith.cmpi eq, %arg0, %eq3A : i32
    %convert_element_type3A = arith.extui %eq3A_11 : i1 to i32
    %cond3A = arith.constant 0 : i32
    %cond3A_12 = arith.cmpi ne, %convert_element_type3A, %cond3A : i32
    scf.if %cond3A_12 {
      %mul3A_24 = arith.constant 120 : i32
      %mul3A_25 = arith.muli %arg1, %mul3A_24 : i32
      %add3A = arith.constant 0 : i32
      %add3A_26 = arith.addi %mul3A_25, %add3A : i32
      "tpu.region"() ({
        %run_scoped3A = tpu.sem_alloc : memref<!tpu.dma_semaphore, #tpu.memory_space<semaphore_mem>>
        %dma_start3A_66 = arith.constant 0 : i32
        %dma_start3A_67 = tpu.memref_slice %arg3[%add3A_26, %dma_start3A_66] : memref<2560x128xi32, #tpu.memory_space<hbm>> -> memref<40x128xi32, #tpu.memory_space<hbm>>
        %dma_start3A_68 = arith.constant 0 : i32
        %dma_start3A_69 = tpu.memref_slice %arg3[%add3A_26, %dma_start3A_68] : memref<2560x128xi32, #tpu.memory_space<hbm>> -> memref<40x128xi32, #tpu.memory_space<hbm>>
        tpu.enqueue_dma source(%dma_start3A_69 : memref<40x128xi32, #tpu.memory_space<hbm>>) target(%arg7 : memref<40x128xi32, #tpu.memory_space<vmem>>) target_semaphore(%run_scoped3A : memref<!tpu.dma_semaphore, #tpu.memory_space<semaphore_mem>>)
        %dma_wait3A = arith.constant 0 : i32
        %dma_wait3A_70 = tpu.memref_slice %arg3[%add3A_26, %dma_wait3A] : memref<2560x128xi32, #tpu.memory_space<hbm>> -> memref<40x128xi32, #tpu.memory_space<hbm>>
        %dma_wait3A_71 = arith.constant 0 : i32
        %dma_wait3A_72 = tpu.memref_slice %arg3[%add3A_26, %dma_wait3A_71] : memref<2560x128xi32, #tpu.memory_space<hbm>> -> memref<40x128xi32, #tpu.memory_space<hbm>>
        tpu.wait_dma2 semaphore(%run_scoped3A : memref<!tpu.dma_semaphore, #tpu.memory_space<semaphore_mem>>) src(%dma_wait3A_72 : memref<40x128xi32, #tpu.memory_space<hbm>>) dst(%arg7 : memref<40x128xi32, #tpu.memory_space<vmem>>)
        tpu.yield
      }) : () -> ()
      "tpu.region"() ({
        %run_scoped3A = tpu.sem_alloc : memref<!tpu.dma_semaphore, #tpu.memory_space<semaphore_mem>>
        %dma_start3A_66 = arith.constant 0 : i32
        %dma_start3A_67 = tpu.memref_slice %arg4[%add3A_26, %dma_start3A_66] : memref<2560x128xi32, #tpu.memory_space<hbm>> -> memref<40x128xi32, #tpu.memory_space<hbm>>
        %dma_start3A_68 = arith.constant 0 : i32
        %dma_start3A_69 = tpu.memref_slice %arg4[%add3A_26, %dma_start3A_68] : memref<2560x128xi32, #tpu.memory_space<hbm>> -> memref<40x128xi32, #tpu.memory_space<hbm>>
        tpu.enqueue_dma source(%dma_start3A_69 : memref<40x128xi32, #tpu.memory_space<hbm>>) target(%arg8 : memref<40x128xi32, #tpu.memory_space<vmem>>) target_semaphore(%run_scoped3A : memref<!tpu.dma_semaphore, #tpu.memory_space<semaphore_mem>>)
        %dma_wait3A = arith.constant 0 : i32
        %dma_wait3A_70 = tpu.memref_slice %arg4[%add3A_26, %dma_wait3A] : memref<2560x128xi32, #tpu.memory_space<hbm>> -> memref<40x128xi32, #tpu.memory_space<hbm>>
        %dma_wait3A_71 = arith.constant 0 : i32
        %dma_wait3A_72 = tpu.memref_slice %arg4[%add3A_26, %dma_wait3A_71] : memref<2560x128xi32, #tpu.memory_space<hbm>> -> memref<40x128xi32, #tpu.memory_space<hbm>>
        tpu.wait_dma2 semaphore(%run_scoped3A : memref<!tpu.dma_semaphore, #tpu.memory_space<semaphore_mem>>) src(%dma_wait3A_72 : memref<40x128xi32, #tpu.memory_space<hbm>>) dst(%arg8 : memref<40x128xi32, #tpu.memory_space<vmem>>)
        tpu.yield
      }) : () -> ()
      "tpu.region"() ({
        %run_scoped3A = tpu.sem_alloc : memref<!tpu.dma_semaphore, #tpu.memory_space<semaphore_mem>>
        %dma_start3A_66 = arith.constant 0 : i32
        %dma_start3A_67 = tpu.memref_slice %arg5[%add3A_26, %dma_start3A_66] : memref<2560x128xf32, #tpu.memory_space<hbm>> -> memref<40x128xf32, #tpu.memory_space<hbm>>
        %dma_start3A_68 = arith.constant 0 : i32
        %dma_start3A_69 = tpu.memref_slice %arg5[%add3A_26, %dma_start3A_68] : memref<2560x128xf32, #tpu.memory_space<hbm>> -> memref<40x128xf32, #tpu.memory_space<hbm>>
        tpu.enqueue_dma source(%dma_start3A_69 : memref<40x128xf32, #tpu.memory_space<hbm>>) target(%arg9 : memref<40x128xf32, #tpu.memory_space<vmem>>) target_semaphore(%run_scoped3A : memref<!tpu.dma_semaphore, #tpu.memory_space<semaphore_mem>>)
        %dma_wait3A = arith.constant 0 : i32
        %dma_wait3A_70 = tpu.memref_slice %arg5[%add3A_26, %dma_wait3A] : memref<2560x128xf32, #tpu.memory_space<hbm>> -> memref<40x128xf32, #tpu.memory_space<hbm>>
        %dma_wait3A_71 = arith.constant 0 : i32
        %dma_wait3A_72 = tpu.memref_slice %arg5[%add3A_26, %dma_wait3A_71] : memref<2560x128xf32, #tpu.memory_space<hbm>> -> memref<40x128xf32, #tpu.memory_space<hbm>>
        tpu.wait_dma2 semaphore(%run_scoped3A : memref<!tpu.dma_semaphore, #tpu.memory_space<semaphore_mem>>) src(%dma_wait3A_72 : memref<40x128xf32, #tpu.memory_space<hbm>>) dst(%arg9 : memref<40x128xf32, #tpu.memory_space<vmem>>)
        tpu.yield
      }) : () -> ()
      %dma_start3A = arith.constant 0 : i32
      %dma_start3A_27 = arith.constant 0 : i32
      %dma_start3A_28 = tpu.memref_slice %arg7[%dma_start3A, %dma_start3A_27] : memref<40x128xi32, #tpu.memory_space<vmem>> -> memref<1x128xi32, #tpu.memory_space<vmem>>
      %dma_start3A_29 = tpu.memref_squeeze %dma_start3A_28 : memref<1x128xi32, #tpu.memory_space<vmem>> -> memref<128xi32, #tpu.memory_space<vmem>>
      %dma_start3A_30 = arith.constant 0 : i32
      %dma_start3A_31 = arith.constant 0 : i32
      %dma_start3A_32 = tpu.memref_slice %arg2[%dma_start3A_30, %dma_start3A_31] : memref<10000x128xf32, #tpu.memory_space<hbm>> -> memref<10000x128xf32, #tpu.memory_space<hbm>>
      tpu.enqueue_indirect_dma source(%dma_start3A_32 : memref<10000x128xf32, #tpu.memory_space<hbm>>) target(%arg10 : memref<128x128xf32, #tpu.memory_space<vmem>>) offsets(%dma_start3A_29 : memref<128xi32, #tpu.memory_space<vmem>>) semaphore(%arg13 : memref<!tpu.dma_semaphore, #tpu.memory_space<semaphore_mem>>)
      %scan3A_33 = arith.constant 0 : i32
      %scan3A_34 = arith.constant 20 : i32
      %scan3A_35 = arith.addi %scan3A_33, %scan3A_34 : i32
      %scan3A_36 = arith.constant 1 : i32
      scf.for %scan3A_66 = %scan3A_33 to %scan3A_35 step %scan3A_36  : i32 {
        %mul3A_67 = arith.constant 1 : i32
        %mul3A_68 = arith.muli %scan3A_66, %mul3A_67 : i32
        %add3A_69 = arith.constant 0 : i32
        %add3A_70 = arith.addi %add3A_69, %mul3A_68 : i32
        %mul3A_71 = arith.constant 2 : i32
        %mul3A_72 = arith.muli %mul3A_71, %add3A_70 : i32
        %add3A_73 = arith.constant 1 : i32
        %add3A_74 = arith.addi %mul3A_72, %add3A_73 : i32
        %dma_start3A_75 = arith.constant 0 : i32
        %dma_start3A_76 = tpu.memref_slice %arg7[%add3A_74, %dma_start3A_75] : memref<40x128xi32, #tpu.memory_space<vmem>> -> memref<1x128xi32, #tpu.memory_space<vmem>>
        %dma_start3A_77 = tpu.memref_squeeze %dma_start3A_76 : memref<1x128xi32, #tpu.memory_space<vmem>> -> memref<128xi32, #tpu.memory_space<vmem>>
        %dma_start3A_78 = arith.constant 0 : i32
        %dma_start3A_79 = arith.constant 0 : i32
        %dma_start3A_80 = tpu.memref_slice %arg2[%dma_start3A_78, %dma_start3A_79] : memref<10000x128xf32, #tpu.memory_space<hbm>> -> memref<10000x128xf32, #tpu.memory_space<hbm>>
        tpu.enqueue_indirect_dma source(%dma_start3A_80 : memref<10000x128xf32, #tpu.memory_space<hbm>>) target(%arg11 : memref<128x128xf32, #tpu.memory_space<vmem>>) offsets(%dma_start3A_77 : memref<128xi32, #tpu.memory_space<vmem>>) semaphore(%arg14 : memref<!tpu.dma_semaphore, #tpu.memory_space<semaphore_mem>>)
        %dma_wait3A = arith.constant 0 : i32
        %dma_wait3A_81 = arith.constant 0 : i32
        %dma_wait3A_82 = tpu.memref_slice %arg2[%dma_wait3A, %dma_wait3A_81] : memref<10000x128xf32, #tpu.memory_space<hbm>> -> memref<128x128xf32, #tpu.memory_space<hbm>>
        %dma_wait3A_83 = arith.constant 0 : i32
        %dma_wait3A_84 = arith.constant 0 : i32
        %dma_wait3A_85 = tpu.memref_slice %arg2[%dma_wait3A_83, %dma_wait3A_84] : memref<10000x128xf32, #tpu.memory_space<hbm>> -> memref<128x128xf32, #tpu.memory_space<hbm>>
        tpu.wait_dma2 semaphore(%arg13 : memref<!tpu.dma_semaphore, #tpu.memory_space<semaphore_mem>>) src(%dma_wait3A_85 : memref<128x128xf32, #tpu.memory_space<hbm>>) dst(%arg10 : memref<128x128xf32, #tpu.memory_space<vmem>>)
        %scan3A_86 = arith.constant 0 : i32
        %scan3A_87 = arith.constant 128 : i32
        %scan3A_88 = arith.addi %scan3A_86, %scan3A_87 : i32
        %scan3A_89 = arith.constant 1 : i32
        scf.for %scan3A_110 = %scan3A_86 to %scan3A_88 step %scan3A_89  : i32 {
          %mul3A_111 = arith.constant 1 : i32
          %mul3A_112 = arith.muli %scan3A_110, %mul3A_111 : i32
          %add3A_113 = arith.constant 0 : i32
          %add3A_114 = arith.addi %add3A_113, %mul3A_112 : i32
          %broadcast_in_dim3A_115 = arith.constant 0 : i32
          %broadcast_in_dim3A_116 = vector.broadcast %broadcast_in_dim3A_115 : i32 to vector<16xi32>
          %add3A_117 = vector.broadcast %add3A_114 : i32 to vector<16xi32>
          %add3A_118 = arith.addi %broadcast_in_dim3A_116, %add3A_117 : vector<16xi32>
          %broadcast_in_dim3A_119 = arith.constant 0 : i32
          %broadcast_in_dim3A_120 = vector.broadcast %broadcast_in_dim3A_119 : i32 to vector<16xi32>
          %add3A_121 = vector.broadcast %mul3A_72 : i32 to vector<16xi32>
          %add3A_122 = arith.addi %broadcast_in_dim3A_120, %add3A_121 : vector<16xi32>
          %gather3A = tpu.vector_load_idx %arg9[%add3A_122, %add3A_118] : memref<40x128xf32, #tpu.memory_space<vmem>>[vector<16xi32>, vector<16xi32>], vector<16xf32>,
          %get3A = arith.index_cast %add3A_114 : i32 to index
          %get3A_123 = arith.constant 0 : index
          %get3A_124 = tpu.vector_load %arg10[%get3A, %get3A_123] {strides = array<i32>} : memref<128x128xf32, #tpu.memory_space<vmem>>, vector<16xf32>,
          %mul3A_125 = arith.mulf %get3A_124, %gather3A : vector<16xf32>
          %swap3A = arith.index_cast %add3A_114 : i32 to index
          %swap3A_126 = arith.constant 0 : index
          %swap3A_127 = tpu.vector_load %arg10[%swap3A, %swap3A_126] {strides = array<i32>} : memref<128x128xf32, #tpu.memory_space<vmem>>, vector<16xf32>,
          tpu.vector_store %arg10[%swap3A, %swap3A_126], %mul3A_125 {strides = array<i32>} : memref<128x128xf32, #tpu.memory_space<vmem>>, vector<16xf32>,
          %get3A_128 = arith.index_cast %add3A_114 : i32 to index
          %get3A_129 = arith.constant 16 : index
          %get3A_130 = tpu.vector_load %arg10[%get3A_128, %get3A_129] {strides = array<i32>} : memref<128x128xf32, #tpu.memory_space<vmem>>, vector<16xf32>,
          %mul3A_131 = arith.mulf %get3A_130, %gather3A : vector<16xf32>
          %swap3A_132 = arith.index_cast %add3A_114 : i32 to index
          %swap3A_133 = arith.constant 16 : index
          %swap3A_134 = tpu.vector_load %arg10[%swap3A_132, %swap3A_133] {strides = array<i32>} : memref<128x128xf32, #tpu.memory_space<vmem>>, vector<16xf32>,
          tpu.vector_store %arg10[%swap3A_132, %swap3A_133], %mul3A_131 {strides = array<i32>} : memref<128x128xf32, #tpu.memory_space<vmem>>, vector<16xf32>,
          %get3A_135 = arith.index_cast %add3A_114 : i32 to index
          %get3A_136 = arith.constant 32 : index
          %get3A_137 = tpu.vector_load %arg10[%get3A_135, %get3A_136] {strides = array<i32>} : memref<128x128xf32, #tpu.memory_space<vmem>>, vector<16xf32>,
          %mul3A_138 = arith.mulf %get3A_137, %gather3A : vector<16xf32>
          %swap3A_139 = arith.index_cast %add3A_114 : i32 to index
          %swap3A_140 = arith.constant 32 : index
          %swap3A_141 = tpu.vector_load %arg10[%swap3A_139, %swap3A_140] {strides = array<i32>} : memref<128x128xf32, #tpu.memory_space<vmem>>, vector<16xf32>,
          tpu.vector_store %arg10[%swap3A_139, %swap3A_140], %mul3A_138 {strides = array<i32>} : memref<128x128xf32, #tpu.memory_space<vmem>>, vector<16xf32>,
          %get3A_142 = arith.index_cast %add3A_114 : i32 to index
          %get3A_143 = arith.constant 48 : index
          %get3A_144 = tpu.vector_load %arg10[%get3A_142, %get3A_143] {strides = array<i32>} : memref<128x128xf32, #tpu.memory_space<vmem>>, vector<16xf32>,
          %mul3A_145 = arith.mulf %get3A_144, %gather3A : vector<16xf32>
          %swap3A_146 = arith.index_cast %add3A_114 : i32 to index
          %swap3A_147 = arith.constant 48 : index
          %swap3A_148 = tpu.vector_load %arg10[%swap3A_146, %swap3A_147] {strides = array<i32>} : memref<128x128xf32, #tpu.memory_space<vmem>>, vector<16xf32>,
          tpu.vector_store %arg10[%swap3A_146, %swap3A_147], %mul3A_145 {strides = array<i32>} : memref<128x128xf32, #tpu.memory_space<vmem>>, vector<16xf32>,
          %get3A_149 = arith.index_cast %add3A_114 : i32 to index
          %get3A_150 = arith.constant 64 : index
          %get3A_151 = tpu.vector_load %arg10[%get3A_149, %get3A_150] {strides = array<i32>} : memref<128x128xf32, #tpu.memory_space<vmem>>, vector<16xf32>,
          %mul3A_152 = arith.mulf %get3A_151, %gather3A : vector<16xf32>
          %swap3A_153 = arith.index_cast %add3A_114 : i32 to index
          %swap3A_154 = arith.constant 64 : index
          %swap3A_155 = tpu.vector_load %arg10[%swap3A_153, %swap3A_154] {strides = array<i32>} : memref<128x128xf32, #tpu.memory_space<vmem>>, vector<16xf32>,
          tpu.vector_store %arg10[%swap3A_153, %swap3A_154], %mul3A_152 {strides = array<i32>} : memref<128x128xf32, #tpu.memory_space<vmem>>, vector<16xf32>,
          %get3A_156 = arith.index_cast %add3A_114 : i32 to index
          %get3A_157 = arith.constant 80 : index
          %get3A_158 = tpu.vector_load %arg10[%get3A_156, %get3A_157] {strides = array<i32>} : memref<128x128xf32, #tpu.memory_space<vmem>>, vector<16xf32>,
          %mul3A_159 = arith.mulf %get3A_158, %gather3A : vector<16xf32>
          %swap3A_160 = arith.index_cast %add3A_114 : i32 to index
          %swap3A_161 = arith.constant 80 : index
          %swap3A_162 = tpu.vector_load %arg10[%swap3A_160, %swap3A_161] {strides = array<i32>} : memref<128x128xf32, #tpu.memory_space<vmem>>, vector<16xf32>,
          tpu.vector_store %arg10[%swap3A_160, %swap3A_161], %mul3A_159 {strides = array<i32>} : memref<128x128xf32, #tpu.memory_space<vmem>>, vector<16xf32>,
          %get3A_163 = arith.index_cast %add3A_114 : i32 to index
          %get3A_164 = arith.constant 96 : index
          %get3A_165 = tpu.vector_load %arg10[%get3A_163, %get3A_164] {strides = array<i32>} : memref<128x128xf32, #tpu.memory_space<vmem>>, vector<16xf32>,
          %mul3A_166 = arith.mulf %get3A_165, %gather3A : vector<16xf32>
          %swap3A_167 = arith.index_cast %add3A_114 : i32 to index
          %swap3A_168 = arith.constant 96 : index
          %swap3A_169 = tpu.vector_load %arg10[%swap3A_167, %swap3A_168] {strides = array<i32>} : memref<128x128xf32, #tpu.memory_space<vmem>>, vector<16xf32>,
          tpu.vector_store %arg10[%swap3A_167, %swap3A_168], %mul3A_166 {strides = array<i32>} : memref<128x128xf32, #tpu.memory_space<vmem>>, vector<16xf32>,
          %get3A_170 = arith.index_cast %add3A_114 : i32 to index
          %get3A_171 = arith.constant 112 : index
          %get3A_172 = tpu.vector_load %arg10[%get3A_170, %get3A_171] {strides = array<i32>} : memref<128x128xf32, #tpu.memory_space<vmem>>, vector<16xf32>,
          %mul3A_173 = arith.mulf %get3A_172, %gather3A : vector<16xf32>
          %swap3A_174 = arith.index_cast %add3A_114 : i32 to index
          %swap3A_175 = arith.constant 112 : index
          %swap3A_176 = tpu.vector_load %arg10[%swap3A_174, %swap3A_175] {strides = array<i32>} : memref<128x128xf32, #tpu.memory_space<vmem>>, vector<16xf32>,
          tpu.vector_store %arg10[%swap3A_174, %swap3A_175], %mul3A_173 {strides = array<i32>} : memref<128x128xf32, #tpu.memory_space<vmem>>, vector<16xf32>,
        }
        %scan3A_90 = arith.constant 128 : i32
        "tpu.region"() ({
          %run_scoped3A = tpu.sem_alloc : memref<!tpu.dma_semaphore, #tpu.memory_space<semaphore_mem>>
          %dma_start3A_110 = arith.constant 0 : i32
          %dma_start3A_111 = tpu.memref_slice %arg8[%mul3A_72, %dma_start3A_110] : memref<40x128xi32, #tpu.memory_space<vmem>> -> memref<1x128xi32, #tpu.memory_space<vmem>>
          %dma_start3A_112 = tpu.memref_squeeze %dma_start3A_111 : memref<1x128xi32, #tpu.memory_space<vmem>> -> memref<128xi32, #tpu.memory_space<vmem>>
          %dma_start3A_113 = arith.constant 0 : i32
          %dma_start3A_114 = arith.constant 0 : i32
          %dma_start3A_115 = tpu.memref_slice %arg12[%dma_start3A_113, %dma_start3A_114] : memref<10240x128xf32, #tpu.memory_space<vmem_shared>> -> memref<10240x128xf32, #tpu.memory_space<vmem_shared>>
          tpu.enqueue_indirect_dma source(%arg10 : memref<128x128xf32, #tpu.memory_space<vmem>>) target(%dma_start3A_115 : memref<10240x128xf32, #tpu.memory_space<vmem_shared>>) offsets(%dma_start3A_112 : memref<128xi32, #tpu.memory_space<vmem>>) semaphore(%run_scoped3A : memref<!tpu.dma_semaphore, #tpu.memory_space<semaphore_mem>>) {add = true}
          %dma_wait3A_116 = arith.constant 0 : i32
          %dma_wait3A_117 = tpu.memref_slice %arg8[%mul3A_72, %dma_wait3A_116] : memref<40x128xi32, #tpu.memory_space<vmem>> -> memref<1x128xi32, #tpu.memory_space<vmem>>
          %dma_wait3A_118 = tpu.memref_squeeze %dma_wait3A_117 : memref<1x128xi32, #tpu.memory_space<vmem>> -> memref<128xi32, #tpu.memory_space<vmem>>
          %dma_wait3A_119 = arith.constant 0 : i32
          %dma_wait3A_120 = arith.constant 0 : i32
          %dma_wait3A_121 = tpu.memref_slice %arg12[%dma_wait3A_119, %dma_wait3A_120] : memref<10240x128xf32, #tpu.memory_space<vmem_shared>> -> memref<10240x128xf32, #tpu.memory_space<vmem_shared>>
          tpu.wait_indirect_dma semaphore(%run_scoped3A : memref<!tpu.dma_semaphore, #tpu.memory_space<semaphore_mem>>) src(%arg10 : memref<128x128xf32, #tpu.memory_space<vmem>>) dst(%dma_wait3A_121 : memref<10240x128xf32, #tpu.memory_space<vmem_shared>>)
          tpu.yield
        }) : () -> ()
        %lt3A = arith.constant 19 : i32
        %lt3A_91 = arith.cmpi slt, %add3A_70, %lt3A : i32
        %convert_element_type3A_92 = arith.extui %lt3A_91 : i1 to i32
        %cond3A_93 = arith.constant 0 : i32
        %cond3A_94 = arith.cmpi ne, %convert_element_type3A_92, %cond3A_93 : i32
        scf.if %cond3A_94 {
          %add3A_110 = arith.constant 2 : i32
          %add3A_111 = arith.addi %mul3A_72, %add3A_110 : i32
          %dma_start3A_112 = arith.constant 0 : i32
          %dma_start3A_113 = tpu.memref_slice %arg7[%add3A_111, %dma_start3A_112] : memref<40x128xi32, #tpu.memory_space<vmem>> -> memref<1x128xi32, #tpu.memory_space<vmem>>
          %dma_start3A_114 = tpu.memref_squeeze %dma_start3A_113 : memref<1x128xi32, #tpu.memory_space<vmem>> -> memref<128xi32, #tpu.memory_space<vmem>>
          %dma_start3A_115 = arith.constant 0 : i32
          %dma_start3A_116 = arith.constant 0 : i32
          %dma_start3A_117 = tpu.memref_slice %arg2[%dma_start3A_115, %dma_start3A_116] : memref<10000x128xf32, #tpu.memory_space<hbm>> -> memref<10000x128xf32, #tpu.memory_space<hbm>>
          tpu.enqueue_indirect_dma source(%dma_start3A_117 : memref<10000x128xf32, #tpu.memory_space<hbm>>) target(%arg10 : memref<128x128xf32, #tpu.memory_space<vmem>>) offsets(%dma_start3A_114 : memref<128xi32, #tpu.memory_space<vmem>>) semaphore(%arg13 : memref<!tpu.dma_semaphore, #tpu.memory_space<semaphore_mem>>)
        } else {
        }
        %dma_wait3A_95 = arith.constant 0 : i32
        %dma_wait3A_96 = arith.constant 0 : i32
        %dma_wait3A_97 = tpu.memref_slice %arg2[%dma_wait3A_95, %dma_wait3A_96] : memref<10000x128xf32, #tpu.memory_space<hbm>> -> memref<128x128xf32, #tpu.memory_space<hbm>>
        %dma_wait3A_98 = arith.constant 0 : i32
        %dma_wait3A_99 = arith.constant 0 : i32
        %dma_wait3A_100 = tpu.memref_slice %arg2[%dma_wait3A_98, %dma_wait3A_99] : memref<10000x128xf32, #tpu.memory_space<hbm>> -> memref<128x128xf32, #tpu.memory_space<hbm>>
        tpu.wait_dma2 semaphore(%arg14 : memref<!tpu.dma_semaphore, #tpu.memory_space<semaphore_mem>>) src(%dma_wait3A_100 : memref<128x128xf32, #tpu.memory_space<hbm>>) dst(%arg11 : memref<128x128xf32, #tpu.memory_space<vmem>>)
        %add3A_101 = arith.constant 1 : i32
        %add3A_102 = arith.addi %mul3A_72, %add3A_101 : i32
        %add3A_103 = arith.constant 1 : i32
        %add3A_104 = arith.addi %mul3A_72, %add3A_103 : i32
        %scan3A_105 = arith.constant 0 : i32
        %scan3A_106 = arith.constant 128 : i32
        %scan3A_107 = arith.addi %scan3A_105, %scan3A_106 : i32
        %scan3A_108 = arith.constant 1 : i32
        scf.for %scan3A_110 = %scan3A_105 to %scan3A_107 step %scan3A_108  : i32 {
          %mul3A_111 = arith.constant 1 : i32
          %mul3A_112 = arith.muli %scan3A_110, %mul3A_111 : i32
          %add3A_113 = arith.constant 0 : i32
          %add3A_114 = arith.addi %add3A_113, %mul3A_112 : i32
          %broadcast_in_dim3A_115 = arith.constant 0 : i32
          %broadcast_in_dim3A_116 = vector.broadcast %broadcast_in_dim3A_115 : i32 to vector<16xi32>
          %add3A_117 = vector.broadcast %add3A_114 : i32 to vector<16xi32>
          %add3A_118 = arith.addi %broadcast_in_dim3A_116, %add3A_117 : vector<16xi32>
          %broadcast_in_dim3A_119 = arith.constant 0 : i32
          %broadcast_in_dim3A_120 = vector.broadcast %broadcast_in_dim3A_119 : i32 to vector<16xi32>
          %add3A_121 = vector.broadcast %add3A_104 : i32 to vector<16xi32>
          %add3A_122 = arith.addi %broadcast_in_dim3A_120, %add3A_121 : vector<16xi32>
          %gather3A = tpu.vector_load_idx %arg9[%add3A_122, %add3A_118] : memref<40x128xf32, #tpu.memory_space<vmem>>[vector<16xi32>, vector<16xi32>], vector<16xf32>,
          %get3A = arith.index_cast %add3A_114 : i32 to index
          %get3A_123 = arith.constant 0 : index
          %get3A_124 = tpu.vector_load %arg11[%get3A, %get3A_123] {strides = array<i32>} : memref<128x128xf32, #tpu.memory_space<vmem>>, vector<16xf32>,
          %mul3A_125 = arith.mulf %get3A_124, %gather3A : vector<16xf32>
          %swap3A = arith.index_cast %add3A_114 : i32 to index
          %swap3A_126 = arith.constant 0 : index
          %swap3A_127 = tpu.vector_load %arg11[%swap3A, %swap3A_126] {strides = array<i32>} : memref<128x128xf32, #tpu.memory_space<vmem>>, vector<16xf32>,
          tpu.vector_store %arg11[%swap3A, %swap3A_126], %mul3A_125 {strides = array<i32>} : memref<128x128xf32, #tpu.memory_space<vmem>>, vector<16xf32>,
          %get3A_128 = arith.index_cast %add3A_114 : i32 to index
          %get3A_129 = arith.constant 16 : index
          %get3A_130 = tpu.vector_load %arg11[%get3A_128, %get3A_129] {strides = array<i32>} : memref<128x128xf32, #tpu.memory_space<vmem>>, vector<16xf32>,
          %mul3A_131 = arith.mulf %get3A_130, %gather3A : vector<16xf32>
          %swap3A_132 = arith.index_cast %add3A_114 : i32 to index
          %swap3A_133 = arith.constant 16 : index
          %swap3A_134 = tpu.vector_load %arg11[%swap3A_132, %swap3A_133] {strides = array<i32>} : memref<128x128xf32, #tpu.memory_space<vmem>>, vector<16xf32>,
          tpu.vector_store %arg11[%swap3A_132, %swap3A_133], %mul3A_131 {strides = array<i32>} : memref<128x128xf32, #tpu.memory_space<vmem>>, vector<16xf32>,
          %get3A_135 = arith.index_cast %add3A_114 : i32 to index
          %get3A_136 = arith.constant 32 : index
          %get3A_137 = tpu.vector_load %arg11[%get3A_135, %get3A_136] {strides = array<i32>} : memref<128x128xf32, #tpu.memory_space<vmem>>, vector<16xf32>,
          %mul3A_138 = arith.mulf %get3A_137, %gather3A : vector<16xf32>
          %swap3A_139 = arith.index_cast %add3A_114 : i32 to index
          %swap3A_140 = arith.constant 32 : index
          %swap3A_141 = tpu.vector_load %arg11[%swap3A_139, %swap3A_140] {strides = array<i32>} : memref<128x128xf32, #tpu.memory_space<vmem>>, vector<16xf32>,
          tpu.vector_store %arg11[%swap3A_139, %swap3A_140], %mul3A_138 {strides = array<i32>} : memref<128x128xf32, #tpu.memory_space<vmem>>, vector<16xf32>,
          %get3A_142 = arith.index_cast %add3A_114 : i32 to index
          %get3A_143 = arith.constant 48 : index
          %get3A_144 = tpu.vector_load %arg11[%get3A_142, %get3A_143] {strides = array<i32>} : memref<128x128xf32, #tpu.memory_space<vmem>>, vector<16xf32>,
          %mul3A_145 = arith.mulf %get3A_144, %gather3A : vector<16xf32>
          %swap3A_146 = arith.index_cast %add3A_114 : i32 to index
          %swap3A_147 = arith.constant 48 : index
          %swap3A_148 = tpu.vector_load %arg11[%swap3A_146, %swap3A_147] {strides = array<i32>} : memref<128x128xf32, #tpu.memory_space<vmem>>, vector<16xf32>,
          tpu.vector_store %arg11[%swap3A_146, %swap3A_147], %mul3A_145 {strides = array<i32>} : memref<128x128xf32, #tpu.memory_space<vmem>>, vector<16xf32>,
          %get3A_149 = arith.index_cast %add3A_114 : i32 to index
          %get3A_150 = arith.constant 64 : index
          %get3A_151 = tpu.vector_load %arg11[%get3A_149, %get3A_150] {strides = array<i32>} : memref<128x128xf32, #tpu.memory_space<vmem>>, vector<16xf32>,
          %mul3A_152 = arith.mulf %get3A_151, %gather3A : vector<16xf32>
          %swap3A_153 = arith.index_cast %add3A_114 : i32 to index
          %swap3A_154 = arith.constant 64 : index
          %swap3A_155 = tpu.vector_load %arg11[%swap3A_153, %swap3A_154] {strides = array<i32>} : memref<128x128xf32, #tpu.memory_space<vmem>>, vector<16xf32>,
          tpu.vector_store %arg11[%swap3A_153, %swap3A_154], %mul3A_152 {strides = array<i32>} : memref<128x128xf32, #tpu.memory_space<vmem>>, vector<16xf32>,
          %get3A_156 = arith.index_cast %add3A_114 : i32 to index
          %get3A_157 = arith.constant 80 : index
          %get3A_158 = tpu.vector_load %arg11[%get3A_156, %get3A_157] {strides = array<i32>} : memref<128x128xf32, #tpu.memory_space<vmem>>, vector<16xf32>,
          %mul3A_159 = arith.mulf %get3A_158, %gather3A : vector<16xf32>
          %swap3A_160 = arith.index_cast %add3A_114 : i32 to index
          %swap3A_161 = arith.constant 80 : index
          %swap3A_162 = tpu.vector_load %arg11[%swap3A_160, %swap3A_161] {strides = array<i32>} : memref<128x128xf32, #tpu.memory_space<vmem>>, vector<16xf32>,
          tpu.vector_store %arg11[%swap3A_160, %swap3A_161], %mul3A_159 {strides = array<i32>} : memref<128x128xf32, #tpu.memory_space<vmem>>, vector<16xf32>,
          %get3A_163 = arith.index_cast %add3A_114 : i32 to index
          %get3A_164 = arith.constant 96 : index
          %get3A_165 = tpu.vector_load %arg11[%get3A_163, %get3A_164] {strides = array<i32>} : memref<128x128xf32, #tpu.memory_space<vmem>>, vector<16xf32>,
          %mul3A_166 = arith.mulf %get3A_165, %gather3A : vector<16xf32>
          %swap3A_167 = arith.index_cast %add3A_114 : i32 to index
          %swap3A_168 = arith.constant 96 : index
          %swap3A_169 = tpu.vector_load %arg11[%swap3A_167, %swap3A_168] {strides = array<i32>} : memref<128x128xf32, #tpu.memory_space<vmem>>, vector<16xf32>,
          tpu.vector_store %arg11[%swap3A_167, %swap3A_168], %mul3A_166 {strides = array<i32>} : memref<128x128xf32, #tpu.memory_space<vmem>>, vector<16xf32>,
          %get3A_170 = arith.index_cast %add3A_114 : i32 to index
          %get3A_171 = arith.constant 112 : index
          %get3A_172 = tpu.vector_load %arg11[%get3A_170, %get3A_171] {strides = array<i32>} : memref<128x128xf32, #tpu.memory_space<vmem>>, vector<16xf32>,
          %mul3A_173 = arith.mulf %get3A_172, %gather3A : vector<16xf32>
          %swap3A_174 = arith.index_cast %add3A_114 : i32 to index
          %swap3A_175 = arith.constant 112 : index
          %swap3A_176 = tpu.vector_load %arg11[%swap3A_174, %swap3A_175] {strides = array<i32>} : memref<128x128xf32, #tpu.memory_space<vmem>>, vector<16xf32>,
          tpu.vector_store %arg11[%swap3A_174, %swap3A_175], %mul3A_173 {strides = array<i32>} : memref<128x128xf32, #tpu.memory_space<vmem>>, vector<16xf32>,
        }
        %scan3A_109 = arith.constant 128 : i32
        "tpu.region"() ({
          %run_scoped3A = tpu.sem_alloc : memref<!tpu.dma_semaphore, #tpu.memory_space<semaphore_mem>>
          %dma_start3A_110 = arith.constant 0 : i32
          %dma_start3A_111 = tpu.memref_slice %arg8[%add3A_102, %dma_start3A_110] : memref<40x128xi32, #tpu.memory_space<vmem>> -> memref<1x128xi32, #tpu.memory_space<vmem>>
          %dma_start3A_112 = tpu.memref_squeeze %dma_start3A_111 : memref<1x128xi32, #tpu.memory_space<vmem>> -> memref<128xi32, #tpu.memory_space<vmem>>
          %dma_start3A_113 = arith.constant 0 : i32
          %dma_start3A_114 = arith.constant 0 : i32
          %dma_start3A_115 = tpu.memref_slice %arg12[%dma_start3A_113, %dma_start3A_114] : memref<10240x128xf32, #tpu.memory_space<vmem_shared>> -> memref<10240x128xf32, #tpu.memory_space<vmem_shared>>
          tpu.enqueue_indirect_dma source(%arg11 : memref<128x128xf32, #tpu.memory_space<vmem>>) target(%dma_start3A_115 : memref<10240x128xf32, #tpu.memory_space<vmem_shared>>) offsets(%dma_start3A_112 : memref<128xi32, #tpu.memory_space<vmem>>) semaphore(%run_scoped3A : memref<!tpu.dma_semaphore, #tpu.memory_space<semaphore_mem>>) {add = true}
          %dma_wait3A_116 = arith.constant 0 : i32
          %dma_wait3A_117 = tpu.memref_slice %arg8[%add3A_102, %dma_wait3A_116] : memref<40x128xi32, #tpu.memory_space<vmem>> -> memref<1x128xi32, #tpu.memory_space<vmem>>
          %dma_wait3A_118 = tpu.memref_squeeze %dma_wait3A_117 : memref<1x128xi32, #tpu.memory_space<vmem>> -> memref<128xi32, #tpu.memory_space<vmem>>
          %dma_wait3A_119 = arith.constant 0 : i32
          %dma_wait3A_120 = arith.constant 0 : i32
          %dma_wait3A_121 = tpu.memref_slice %arg12[%dma_wait3A_119, %dma_wait3A_120] : memref<10240x128xf32, #tpu.memory_space<vmem_shared>> -> memref<10240x128xf32, #tpu.memory_space<vmem_shared>>
          tpu.wait_indirect_dma semaphore(%run_scoped3A : memref<!tpu.dma_semaphore, #tpu.memory_space<semaphore_mem>>) src(%arg11 : memref<128x128xf32, #tpu.memory_space<vmem>>) dst(%dma_wait3A_121 : memref<10240x128xf32, #tpu.memory_space<vmem_shared>>)
          tpu.yield
        }) : () -> ()
      }
      %scan3A_37 = arith.constant 20 : i32
      %add3A_38 = arith.constant 40 : i32
      %add3A_39 = arith.addi %mul3A_25, %add3A_38 : i32
      "tpu.region"() ({
        %run_scoped3A = tpu.sem_alloc : memref<!tpu.dma_semaphore, #tpu.memory_space<semaphore_mem>>
        %dma_start3A_66 = arith.constant 0 : i32
        %dma_start3A_67 = tpu.memref_slice %arg3[%add3A_39, %dma_start3A_66] : memref<2560x128xi32, #tpu.memory_space<hbm>> -> memref<40x128xi32, #tpu.memory_space<hbm>>
        %dma_start3A_68 = arith.constant 0 : i32
        %dma_start3A_69 = tpu.memref_slice %arg3[%add3A_39, %dma_start3A_68] : memref<2560x128xi32, #tpu.memory_space<hbm>> -> memref<40x128xi32, #tpu.memory_space<hbm>>
        tpu.enqueue_dma source(%dma_start3A_69 : memref<40x128xi32, #tpu.memory_space<hbm>>) target(%arg7 : memref<40x128xi32, #tpu.memory_space<vmem>>) target_semaphore(%run_scoped3A : memref<!tpu.dma_semaphore, #tpu.memory_space<semaphore_mem>>)
        %dma_wait3A = arith.constant 0 : i32
        %dma_wait3A_70 = tpu.memref_slice %arg3[%add3A_39, %dma_wait3A] : memref<2560x128xi32, #tpu.memory_space<hbm>> -> memref<40x128xi32, #tpu.memory_space<hbm>>
        %dma_wait3A_71 = arith.constant 0 : i32
        %dma_wait3A_72 = tpu.memref_slice %arg3[%add3A_39, %dma_wait3A_71] : memref<2560x128xi32, #tpu.memory_space<hbm>> -> memref<40x128xi32, #tpu.memory_space<hbm>>
        tpu.wait_dma2 semaphore(%run_scoped3A : memref<!tpu.dma_semaphore, #tpu.memory_space<semaphore_mem>>) src(%dma_wait3A_72 : memref<40x128xi32, #tpu.memory_space<hbm>>) dst(%arg7 : memref<40x128xi32, #tpu.memory_space<vmem>>)
        tpu.yield
      }) : () -> ()
      "tpu.region"() ({
        %run_scoped3A = tpu.sem_alloc : memref<!tpu.dma_semaphore, #tpu.memory_space<semaphore_mem>>
        %dma_start3A_66 = arith.constant 0 : i32
        %dma_start3A_67 = tpu.memref_slice %arg4[%add3A_39, %dma_start3A_66] : memref<2560x128xi32, #tpu.memory_space<hbm>> -> memref<40x128xi32, #tpu.memory_space<hbm>>
        %dma_start3A_68 = arith.constant 0 : i32
        %dma_start3A_69 = tpu.memref_slice %arg4[%add3A_39, %dma_start3A_68] : memref<2560x128xi32, #tpu.memory_space<hbm>> -> memref<40x128xi32, #tpu.memory_space<hbm>>
        tpu.enqueue_dma source(%dma_start3A_69 : memref<40x128xi32, #tpu.memory_space<hbm>>) target(%arg8 : memref<40x128xi32, #tpu.memory_space<vmem>>) target_semaphore(%run_scoped3A : memref<!tpu.dma_semaphore, #tpu.memory_space<semaphore_mem>>)
        %dma_wait3A = arith.constant 0 : i32
        %dma_wait3A_70 = tpu.memref_slice %arg4[%add3A_39, %dma_wait3A] : memref<2560x128xi32, #tpu.memory_space<hbm>> -> memref<40x128xi32, #tpu.memory_space<hbm>>
        %dma_wait3A_71 = arith.constant 0 : i32
        %dma_wait3A_72 = tpu.memref_slice %arg4[%add3A_39, %dma_wait3A_71] : memref<2560x128xi32, #tpu.memory_space<hbm>> -> memref<40x128xi32, #tpu.memory_space<hbm>>
        tpu.wait_dma2 semaphore(%run_scoped3A : memref<!tpu.dma_semaphore, #tpu.memory_space<semaphore_mem>>) src(%dma_wait3A_72 : memref<40x128xi32, #tpu.memory_space<hbm>>) dst(%arg8 : memref<40x128xi32, #tpu.memory_space<vmem>>)
        tpu.yield
      }) : () -> ()
      "tpu.region"() ({
        %run_scoped3A = tpu.sem_alloc : memref<!tpu.dma_semaphore, #tpu.memory_space<semaphore_mem>>
        %dma_start3A_66 = arith.constant 0 : i32
        %dma_start3A_67 = tpu.memref_slice %arg5[%add3A_39, %dma_start3A_66] : memref<2560x128xf32, #tpu.memory_space<hbm>> -> memref<40x128xf32, #tpu.memory_space<hbm>>
        %dma_start3A_68 = arith.constant 0 : i32
        %dma_start3A_69 = tpu.memref_slice %arg5[%add3A_39, %dma_start3A_68] : memref<2560x128xf32, #tpu.memory_space<hbm>> -> memref<40x128xf32, #tpu.memory_space<hbm>>
        tpu.enqueue_dma source(%dma_start3A_69 : memref<40x128xf32, #tpu.memory_space<hbm>>) target(%arg9 : memref<40x128xf32, #tpu.memory_space<vmem>>) target_semaphore(%run_scoped3A : memref<!tpu.dma_semaphore, #tpu.memory_space<semaphore_mem>>)
        %dma_wait3A = arith.constant 0 : i32
        %dma_wait3A_70 = tpu.memref_slice %arg5[%add3A_39, %dma_wait3A] : memref<2560x128xf32, #tpu.memory_space<hbm>> -> memref<40x128xf32, #tpu.memory_space<hbm>>
        %dma_wait3A_71 = arith.constant 0 : i32
        %dma_wait3A_72 = tpu.memref_slice %arg5[%add3A_39, %dma_wait3A_71] : memref<2560x128xf32, #tpu.memory_space<hbm>> -> memref<40x128xf32, #tpu.memory_space<hbm>>
        tpu.wait_dma2 semaphore(%run_scoped3A : memref<!tpu.dma_semaphore, #tpu.memory_space<semaphore_mem>>) src(%dma_wait3A_72 : memref<40x128xf32, #tpu.memory_space<hbm>>) dst(%arg9 : memref<40x128xf32, #tpu.memory_space<vmem>>)
        tpu.yield
      }) : () -> ()
      %dma_start3A_40 = arith.constant 0 : i32
      %dma_start3A_41 = arith.constant 0 : i32
      %dma_start3A_42 = tpu.memref_slice %arg7[%dma_start3A_40, %dma_start3A_41] : memref<40x128xi32, #tpu.memory_space<vmem>> -> memref<1x128xi32, #tpu.memory_space<vmem>>
      %dma_start3A_43 = tpu.memref_squeeze %dma_start3A_42 : memref<1x128xi32, #tpu.memory_space<vmem>> -> memref<128xi32, #tpu.memory_space<vmem>>
      %dma_start3A_44 = arith.constant 0 : i32
      %dma_start3A_45 = arith.constant 0 : i32
      %dma_start3A_46 = tpu.memref_slice %arg2[%dma_start3A_44, %dma_start3A_45] : memref<10000x128xf32, #tpu.memory_space<hbm>> -> memref<10000x128xf32, #tpu.memory_space<hbm>>
      tpu.enqueue_indirect_dma source(%dma_start3A_46 : memref<10000x128xf32, #tpu.memory_space<hbm>>) target(%arg10 : memref<128x128xf32, #tpu.memory_space<vmem>>) offsets(%dma_start3A_43 : memref<128xi32, #tpu.memory_space<vmem>>) semaphore(%arg13 : memref<!tpu.dma_semaphore, #tpu.memory_space<semaphore_mem>>)
      %scan3A_47 = arith.constant 0 : i32
      %scan3A_48 = arith.constant 20 : i32
      %scan3A_49 = arith.addi %scan3A_47, %scan3A_48 : i32
      %scan3A_50 = arith.constant 1 : i32
      scf.for %scan3A_66 = %scan3A_47 to %scan3A_49 step %scan3A_50  : i32 {
        %mul3A_67 = arith.constant 1 : i32
        %mul3A_68 = arith.muli %scan3A_66, %mul3A_67 : i32
        %add3A_69 = arith.constant 0 : i32
        %add3A_70 = arith.addi %add3A_69, %mul3A_68 : i32
        %mul3A_71 = arith.constant 2 : i32
        %mul3A_72 = arith.muli %mul3A_71, %add3A_70 : i32
        %add3A_73 = arith.constant 1 : i32
        %add3A_74 = arith.addi %mul3A_72, %add3A_73 : i32
        %dma_start3A_75 = arith.constant 0 : i32
        %dma_start3A_76 = tpu.memref_slice %arg7[%add3A_74, %dma_start3A_75] : memref<40x128xi32, #tpu.memory_space<vmem>> -> memref<1x128xi32, #tpu.memory_space<vmem>>
        %dma_start3A_77 = tpu.memref_squeeze %dma_start3A_76 : memref<1x128xi32, #tpu.memory_space<vmem>> -> memref<128xi32, #tpu.memory_space<vmem>>
        %dma_start3A_78 = arith.constant 0 : i32
        %dma_start3A_79 = arith.constant 0 : i32
        %dma_start3A_80 = tpu.memref_slice %arg2[%dma_start3A_78, %dma_start3A_79] : memref<10000x128xf32, #tpu.memory_space<hbm>> -> memref<10000x128xf32, #tpu.memory_space<hbm>>
        tpu.enqueue_indirect_dma source(%dma_start3A_80 : memref<10000x128xf32, #tpu.memory_space<hbm>>) target(%arg11 : memref<128x128xf32, #tpu.memory_space<vmem>>) offsets(%dma_start3A_77 : memref<128xi32, #tpu.memory_space<vmem>>) semaphore(%arg14 : memref<!tpu.dma_semaphore, #tpu.memory_space<semaphore_mem>>)
        %dma_wait3A = arith.constant 0 : i32
        %dma_wait3A_81 = arith.constant 0 : i32
        %dma_wait3A_82 = tpu.memref_slice %arg2[%dma_wait3A, %dma_wait3A_81] : memref<10000x128xf32, #tpu.memory_space<hbm>> -> memref<128x128xf32, #tpu.memory_space<hbm>>
        %dma_wait3A_83 = arith.constant 0 : i32
        %dma_wait3A_84 = arith.constant 0 : i32
        %dma_wait3A_85 = tpu.memref_slice %arg2[%dma_wait3A_83, %dma_wait3A_84] : memref<10000x128xf32, #tpu.memory_space<hbm>> -> memref<128x128xf32, #tpu.memory_space<hbm>>
        tpu.wait_dma2 semaphore(%arg13 : memref<!tpu.dma_semaphore, #tpu.memory_space<semaphore_mem>>) src(%dma_wait3A_85 : memref<128x128xf32, #tpu.memory_space<hbm>>) dst(%arg10 : memref<128x128xf32, #tpu.memory_space<vmem>>)
        %scan3A_86 = arith.constant 0 : i32
        %scan3A_87 = arith.constant 128 : i32
        %scan3A_88 = arith.addi %scan3A_86, %scan3A_87 : i32
        %scan3A_89 = arith.constant 1 : i32
        scf.for %scan3A_110 = %scan3A_86 to %scan3A_88 step %scan3A_89  : i32 {
          %mul3A_111 = arith.constant 1 : i32
          %mul3A_112 = arith.muli %scan3A_110, %mul3A_111 : i32
          %add3A_113 = arith.constant 0 : i32
          %add3A_114 = arith.addi %add3A_113, %mul3A_112 : i32
          %broadcast_in_dim3A_115 = arith.constant 0 : i32
          %broadcast_in_dim3A_116 = vector.broadcast %broadcast_in_dim3A_115 : i32 to vector<16xi32>
          %add3A_117 = vector.broadcast %add3A_114 : i32 to vector<16xi32>
          %add3A_118 = arith.addi %broadcast_in_dim3A_116, %add3A_117 : vector<16xi32>
          %broadcast_in_dim3A_119 = arith.constant 0 : i32
          %broadcast_in_dim3A_120 = vector.broadcast %broadcast_in_dim3A_119 : i32 to vector<16xi32>
          %add3A_121 = vector.broadcast %mul3A_72 : i32 to vector<16xi32>
          %add3A_122 = arith.addi %broadcast_in_dim3A_120, %add3A_121 : vector<16xi32>
          %gather3A = tpu.vector_load_idx %arg9[%add3A_122, %add3A_118] : memref<40x128xf32, #tpu.memory_space<vmem>>[vector<16xi32>, vector<16xi32>], vector<16xf32>,
          %get3A = arith.index_cast %add3A_114 : i32 to index
          %get3A_123 = arith.constant 0 : index
          %get3A_124 = tpu.vector_load %arg10[%get3A, %get3A_123] {strides = array<i32>} : memref<128x128xf32, #tpu.memory_space<vmem>>, vector<16xf32>,
          %mul3A_125 = arith.mulf %get3A_124, %gather3A : vector<16xf32>
          %swap3A = arith.index_cast %add3A_114 : i32 to index
          %swap3A_126 = arith.constant 0 : index
          %swap3A_127 = tpu.vector_load %arg10[%swap3A, %swap3A_126] {strides = array<i32>} : memref<128x128xf32, #tpu.memory_space<vmem>>, vector<16xf32>,
          tpu.vector_store %arg10[%swap3A, %swap3A_126], %mul3A_125 {strides = array<i32>} : memref<128x128xf32, #tpu.memory_space<vmem>>, vector<16xf32>,
          %get3A_128 = arith.index_cast %add3A_114 : i32 to index
          %get3A_129 = arith.constant 16 : index
          %get3A_130 = tpu.vector_load %arg10[%get3A_128, %get3A_129] {strides = array<i32>} : memref<128x128xf32, #tpu.memory_space<vmem>>, vector<16xf32>,
          %mul3A_131 = arith.mulf %get3A_130, %gather3A : vector<16xf32>
          %swap3A_132 = arith.index_cast %add3A_114 : i32 to index
          %swap3A_133 = arith.constant 16 : index
          %swap3A_134 = tpu.vector_load %arg10[%swap3A_132, %swap3A_133] {strides = array<i32>} : memref<128x128xf32, #tpu.memory_space<vmem>>, vector<16xf32>,
          tpu.vector_store %arg10[%swap3A_132, %swap3A_133], %mul3A_131 {strides = array<i32>} : memref<128x128xf32, #tpu.memory_space<vmem>>, vector<16xf32>,
          %get3A_135 = arith.index_cast %add3A_114 : i32 to index
          %get3A_136 = arith.constant 32 : index
          %get3A_137 = tpu.vector_load %arg10[%get3A_135, %get3A_136] {strides = array<i32>} : memref<128x128xf32, #tpu.memory_space<vmem>>, vector<16xf32>,
          %mul3A_138 = arith.mulf %get3A_137, %gather3A : vector<16xf32>
          %swap3A_139 = arith.index_cast %add3A_114 : i32 to index
          %swap3A_140 = arith.constant 32 : index
          %swap3A_141 = tpu.vector_load %arg10[%swap3A_139, %swap3A_140] {strides = array<i32>} : memref<128x128xf32, #tpu.memory_space<vmem>>, vector<16xf32>,
          tpu.vector_store %arg10[%swap3A_139, %swap3A_140], %mul3A_138 {strides = array<i32>} : memref<128x128xf32, #tpu.memory_space<vmem>>, vector<16xf32>,
          %get3A_142 = arith.index_cast %add3A_114 : i32 to index
          %get3A_143 = arith.constant 48 : index
          %get3A_144 = tpu.vector_load %arg10[%get3A_142, %get3A_143] {strides = array<i32>} : memref<128x128xf32, #tpu.memory_space<vmem>>, vector<16xf32>,
          %mul3A_145 = arith.mulf %get3A_144, %gather3A : vector<16xf32>
          %swap3A_146 = arith.index_cast %add3A_114 : i32 to index
          %swap3A_147 = arith.constant 48 : index
          %swap3A_148 = tpu.vector_load %arg10[%swap3A_146, %swap3A_147] {strides = array<i32>} : memref<128x128xf32, #tpu.memory_space<vmem>>, vector<16xf32>,
          tpu.vector_store %arg10[%swap3A_146, %swap3A_147], %mul3A_145 {strides = array<i32>} : memref<128x128xf32, #tpu.memory_space<vmem>>, vector<16xf32>,
          %get3A_149 = arith.index_cast %add3A_114 : i32 to index
          %get3A_150 = arith.constant 64 : index
          %get3A_151 = tpu.vector_load %arg10[%get3A_149, %get3A_150] {strides = array<i32>} : memref<128x128xf32, #tpu.memory_space<vmem>>, vector<16xf32>,
          %mul3A_152 = arith.mulf %get3A_151, %gather3A : vector<16xf32>
          %swap3A_153 = arith.index_cast %add3A_114 : i32 to index
          %swap3A_154 = arith.constant 64 : index
          %swap3A_155 = tpu.vector_load %arg10[%swap3A_153, %swap3A_154] {strides = array<i32>} : memref<128x128xf32, #tpu.memory_space<vmem>>, vector<16xf32>,
          tpu.vector_store %arg10[%swap3A_153, %swap3A_154], %mul3A_152 {strides = array<i32>} : memref<128x128xf32, #tpu.memory_space<vmem>>, vector<16xf32>,
          %get3A_156 = arith.index_cast %add3A_114 : i32 to index
          %get3A_157 = arith.constant 80 : index
          %get3A_158 = tpu.vector_load %arg10[%get3A_156, %get3A_157] {strides = array<i32>} : memref<128x128xf32, #tpu.memory_space<vmem>>, vector<16xf32>,
          %mul3A_159 = arith.mulf %get3A_158, %gather3A : vector<16xf32>
          %swap3A_160 = arith.index_cast %add3A_114 : i32 to index
          %swap3A_161 = arith.constant 80 : index
          %swap3A_162 = tpu.vector_load %arg10[%swap3A_160, %swap3A_161] {strides = array<i32>} : memref<128x128xf32, #tpu.memory_space<vmem>>, vector<16xf32>,
          tpu.vector_store %arg10[%swap3A_160, %swap3A_161], %mul3A_159 {strides = array<i32>} : memref<128x128xf32, #tpu.memory_space<vmem>>, vector<16xf32>,
          %get3A_163 = arith.index_cast %add3A_114 : i32 to index
          %get3A_164 = arith.constant 96 : index
          %get3A_165 = tpu.vector_load %arg10[%get3A_163, %get3A_164] {strides = array<i32>} : memref<128x128xf32, #tpu.memory_space<vmem>>, vector<16xf32>,
          %mul3A_166 = arith.mulf %get3A_165, %gather3A : vector<16xf32>
          %swap3A_167 = arith.index_cast %add3A_114 : i32 to index
          %swap3A_168 = arith.constant 96 : index
          %swap3A_169 = tpu.vector_load %arg10[%swap3A_167, %swap3A_168] {strides = array<i32>} : memref<128x128xf32, #tpu.memory_space<vmem>>, vector<16xf32>,
          tpu.vector_store %arg10[%swap3A_167, %swap3A_168], %mul3A_166 {strides = array<i32>} : memref<128x128xf32, #tpu.memory_space<vmem>>, vector<16xf32>,
          %get3A_170 = arith.index_cast %add3A_114 : i32 to index
          %get3A_171 = arith.constant 112 : index
          %get3A_172 = tpu.vector_load %arg10[%get3A_170, %get3A_171] {strides = array<i32>} : memref<128x128xf32, #tpu.memory_space<vmem>>, vector<16xf32>,
          %mul3A_173 = arith.mulf %get3A_172, %gather3A : vector<16xf32>
          %swap3A_174 = arith.index_cast %add3A_114 : i32 to index
          %swap3A_175 = arith.constant 112 : index
          %swap3A_176 = tpu.vector_load %arg10[%swap3A_174, %swap3A_175] {strides = array<i32>} : memref<128x128xf32, #tpu.memory_space<vmem>>, vector<16xf32>,
          tpu.vector_store %arg10[%swap3A_174, %swap3A_175], %mul3A_173 {strides = array<i32>} : memref<128x128xf32, #tpu.memory_space<vmem>>, vector<16xf32>,
        }
        %scan3A_90 = arith.constant 128 : i32
        "tpu.region"() ({
          %run_scoped3A = tpu.sem_alloc : memref<!tpu.dma_semaphore, #tpu.memory_space<semaphore_mem>>
          %dma_start3A_110 = arith.constant 0 : i32
          %dma_start3A_111 = tpu.memref_slice %arg8[%mul3A_72, %dma_start3A_110] : memref<40x128xi32, #tpu.memory_space<vmem>> -> memref<1x128xi32, #tpu.memory_space<vmem>>
          %dma_start3A_112 = tpu.memref_squeeze %dma_start3A_111 : memref<1x128xi32, #tpu.memory_space<vmem>> -> memref<128xi32, #tpu.memory_space<vmem>>
          %dma_start3A_113 = arith.constant 0 : i32
          %dma_start3A_114 = arith.constant 0 : i32
          %dma_start3A_115 = tpu.memref_slice %arg12[%dma_start3A_113, %dma_start3A_114] : memref<10240x128xf32, #tpu.memory_space<vmem_shared>> -> memref<10240x128xf32, #tpu.memory_space<vmem_shared>>
          tpu.enqueue_indirect_dma source(%arg10 : memref<128x128xf32, #tpu.memory_space<vmem>>) target(%dma_start3A_115 : memref<10240x128xf32, #tpu.memory_space<vmem_shared>>) offsets(%dma_start3A_112 : memref<128xi32, #tpu.memory_space<vmem>>) semaphore(%run_scoped3A : memref<!tpu.dma_semaphore, #tpu.memory_space<semaphore_mem>>) {add = true}
          %dma_wait3A_116 = arith.constant 0 : i32
          %dma_wait3A_117 = tpu.memref_slice %arg8[%mul3A_72, %dma_wait3A_116] : memref<40x128xi32, #tpu.memory_space<vmem>> -> memref<1x128xi32, #tpu.memory_space<vmem>>
          %dma_wait3A_118 = tpu.memref_squeeze %dma_wait3A_117 : memref<1x128xi32, #tpu.memory_space<vmem>> -> memref<128xi32, #tpu.memory_space<vmem>>
          %dma_wait3A_119 = arith.constant 0 : i32
          %dma_wait3A_120 = arith.constant 0 : i32
          %dma_wait3A_121 = tpu.memref_slice %arg12[%dma_wait3A_119, %dma_wait3A_120] : memref<10240x128xf32, #tpu.memory_space<vmem_shared>> -> memref<10240x128xf32, #tpu.memory_space<vmem_shared>>
          tpu.wait_indirect_dma semaphore(%run_scoped3A : memref<!tpu.dma_semaphore, #tpu.memory_space<semaphore_mem>>) src(%arg10 : memref<128x128xf32, #tpu.memory_space<vmem>>) dst(%dma_wait3A_121 : memref<10240x128xf32, #tpu.memory_space<vmem_shared>>)
          tpu.yield
        }) : () -> ()
        %lt3A = arith.constant 19 : i32
        %lt3A_91 = arith.cmpi slt, %add3A_70, %lt3A : i32
        %convert_element_type3A_92 = arith.extui %lt3A_91 : i1 to i32
        %cond3A_93 = arith.constant 0 : i32
        %cond3A_94 = arith.cmpi ne, %convert_element_type3A_92, %cond3A_93 : i32
        scf.if %cond3A_94 {
          %add3A_110 = arith.constant 2 : i32
          %add3A_111 = arith.addi %mul3A_72, %add3A_110 : i32
          %dma_start3A_112 = arith.constant 0 : i32
          %dma_start3A_113 = tpu.memref_slice %arg7[%add3A_111, %dma_start3A_112] : memref<40x128xi32, #tpu.memory_space<vmem>> -> memref<1x128xi32, #tpu.memory_space<vmem>>
          %dma_start3A_114 = tpu.memref_squeeze %dma_start3A_113 : memref<1x128xi32, #tpu.memory_space<vmem>> -> memref<128xi32, #tpu.memory_space<vmem>>
          %dma_start3A_115 = arith.constant 0 : i32
          %dma_start3A_116 = arith.constant 0 : i32
          %dma_start3A_117 = tpu.memref_slice %arg2[%dma_start3A_115, %dma_start3A_116] : memref<10000x128xf32, #tpu.memory_space<hbm>> -> memref<10000x128xf32, #tpu.memory_space<hbm>>
          tpu.enqueue_indirect_dma source(%dma_start3A_117 : memref<10000x128xf32, #tpu.memory_space<hbm>>) target(%arg10 : memref<128x128xf32, #tpu.memory_space<vmem>>) offsets(%dma_start3A_114 : memref<128xi32, #tpu.memory_space<vmem>>) semaphore(%arg13 : memref<!tpu.dma_semaphore, #tpu.memory_space<semaphore_mem>>)
        } else {
        }
        %dma_wait3A_95 = arith.constant 0 : i32
        %dma_wait3A_96 = arith.constant 0 : i32
        %dma_wait3A_97 = tpu.memref_slice %arg2[%dma_wait3A_95, %dma_wait3A_96] : memref<10000x128xf32, #tpu.memory_space<hbm>> -> memref<128x128xf32, #tpu.memory_space<hbm>>
        %dma_wait3A_98 = arith.constant 0 : i32
        %dma_wait3A_99 = arith.constant 0 : i32
        %dma_wait3A_100 = tpu.memref_slice %arg2[%dma_wait3A_98, %dma_wait3A_99] : memref<10000x128xf32, #tpu.memory_space<hbm>> -> memref<128x128xf32, #tpu.memory_space<hbm>>
        tpu.wait_dma2 semaphore(%arg14 : memref<!tpu.dma_semaphore, #tpu.memory_space<semaphore_mem>>) src(%dma_wait3A_100 : memref<128x128xf32, #tpu.memory_space<hbm>>) dst(%arg11 : memref<128x128xf32, #tpu.memory_space<vmem>>)
        %add3A_101 = arith.constant 1 : i32
        %add3A_102 = arith.addi %mul3A_72, %add3A_101 : i32
        %add3A_103 = arith.constant 1 : i32
        %add3A_104 = arith.addi %mul3A_72, %add3A_103 : i32
        %scan3A_105 = arith.constant 0 : i32
        %scan3A_106 = arith.constant 128 : i32
        %scan3A_107 = arith.addi %scan3A_105, %scan3A_106 : i32
        %scan3A_108 = arith.constant 1 : i32
        scf.for %scan3A_110 = %scan3A_105 to %scan3A_107 step %scan3A_108  : i32 {
          %mul3A_111 = arith.constant 1 : i32
          %mul3A_112 = arith.muli %scan3A_110, %mul3A_111 : i32
          %add3A_113 = arith.constant 0 : i32
          %add3A_114 = arith.addi %add3A_113, %mul3A_112 : i32
          %broadcast_in_dim3A_115 = arith.constant 0 : i32
          %broadcast_in_dim3A_116 = vector.broadcast %broadcast_in_dim3A_115 : i32 to vector<16xi32>
          %add3A_117 = vector.broadcast %add3A_114 : i32 to vector<16xi32>
          %add3A_118 = arith.addi %broadcast_in_dim3A_116, %add3A_117 : vector<16xi32>
          %broadcast_in_dim3A_119 = arith.constant 0 : i32
          %broadcast_in_dim3A_120 = vector.broadcast %broadcast_in_dim3A_119 : i32 to vector<16xi32>
          %add3A_121 = vector.broadcast %add3A_104 : i32 to vector<16xi32>
          %add3A_122 = arith.addi %broadcast_in_dim3A_120, %add3A_121 : vector<16xi32>
          %gather3A = tpu.vector_load_idx %arg9[%add3A_122, %add3A_118] : memref<40x128xf32, #tpu.memory_space<vmem>>[vector<16xi32>, vector<16xi32>], vector<16xf32>,
          %get3A = arith.index_cast %add3A_114 : i32 to index
          %get3A_123 = arith.constant 0 : index
          %get3A_124 = tpu.vector_load %arg11[%get3A, %get3A_123] {strides = array<i32>} : memref<128x128xf32, #tpu.memory_space<vmem>>, vector<16xf32>,
          %mul3A_125 = arith.mulf %get3A_124, %gather3A : vector<16xf32>
          %swap3A = arith.index_cast %add3A_114 : i32 to index
          %swap3A_126 = arith.constant 0 : index
          %swap3A_127 = tpu.vector_load %arg11[%swap3A, %swap3A_126] {strides = array<i32>} : memref<128x128xf32, #tpu.memory_space<vmem>>, vector<16xf32>,
          tpu.vector_store %arg11[%swap3A, %swap3A_126], %mul3A_125 {strides = array<i32>} : memref<128x128xf32, #tpu.memory_space<vmem>>, vector<16xf32>,
          %get3A_128 = arith.index_cast %add3A_114 : i32 to index
          %get3A_129 = arith.constant 16 : index
          %get3A_130 = tpu.vector_load %arg11[%get3A_128, %get3A_129] {strides = array<i32>} : memref<128x128xf32, #tpu.memory_space<vmem>>, vector<16xf32>,
          %mul3A_131 = arith.mulf %get3A_130, %gather3A : vector<16xf32>
          %swap3A_132 = arith.index_cast %add3A_114 : i32 to index
          %swap3A_133 = arith.constant 16 : index
          %swap3A_134 = tpu.vector_load %arg11[%swap3A_132, %swap3A_133] {strides = array<i32>} : memref<128x128xf32, #tpu.memory_space<vmem>>, vector<16xf32>,
          tpu.vector_store %arg11[%swap3A_132, %swap3A_133], %mul3A_131 {strides = array<i32>} : memref<128x128xf32, #tpu.memory_space<vmem>>, vector<16xf32>,
          %get3A_135 = arith.index_cast %add3A_114 : i32 to index
          %get3A_136 = arith.constant 32 : index
          %get3A_137 = tpu.vector_load %arg11[%get3A_135, %get3A_136] {strides = array<i32>} : memref<128x128xf32, #tpu.memory_space<vmem>>, vector<16xf32>,
          %mul3A_138 = arith.mulf %get3A_137, %gather3A : vector<16xf32>
          %swap3A_139 = arith.index_cast %add3A_114 : i32 to index
          %swap3A_140 = arith.constant 32 : index
          %swap3A_141 = tpu.vector_load %arg11[%swap3A_139, %swap3A_140] {strides = array<i32>} : memref<128x128xf32, #tpu.memory_space<vmem>>, vector<16xf32>,
          tpu.vector_store %arg11[%swap3A_139, %swap3A_140], %mul3A_138 {strides = array<i32>} : memref<128x128xf32, #tpu.memory_space<vmem>>, vector<16xf32>,
          %get3A_142 = arith.index_cast %add3A_114 : i32 to index
          %get3A_143 = arith.constant 48 : index
          %get3A_144 = tpu.vector_load %arg11[%get3A_142, %get3A_143] {strides = array<i32>} : memref<128x128xf32, #tpu.memory_space<vmem>>, vector<16xf32>,
          %mul3A_145 = arith.mulf %get3A_144, %gather3A : vector<16xf32>
          %swap3A_146 = arith.index_cast %add3A_114 : i32 to index
          %swap3A_147 = arith.constant 48 : index
          %swap3A_148 = tpu.vector_load %arg11[%swap3A_146, %swap3A_147] {strides = array<i32>} : memref<128x128xf32, #tpu.memory_space<vmem>>, vector<16xf32>,
          tpu.vector_store %arg11[%swap3A_146, %swap3A_147], %mul3A_145 {strides = array<i32>} : memref<128x128xf32, #tpu.memory_space<vmem>>, vector<16xf32>,
          %get3A_149 = arith.index_cast %add3A_114 : i32 to index
          %get3A_150 = arith.constant 64 : index
          %get3A_151 = tpu.vector_load %arg11[%get3A_149, %get3A_150] {strides = array<i32>} : memref<128x128xf32, #tpu.memory_space<vmem>>, vector<16xf32>,
          %mul3A_152 = arith.mulf %get3A_151, %gather3A : vector<16xf32>
          %swap3A_153 = arith.index_cast %add3A_114 : i32 to index
          %swap3A_154 = arith.constant 64 : index
          %swap3A_155 = tpu.vector_load %arg11[%swap3A_153, %swap3A_154] {strides = array<i32>} : memref<128x128xf32, #tpu.memory_space<vmem>>, vector<16xf32>,
          tpu.vector_store %arg11[%swap3A_153, %swap3A_154], %mul3A_152 {strides = array<i32>} : memref<128x128xf32, #tpu.memory_space<vmem>>, vector<16xf32>,
          %get3A_156 = arith.index_cast %add3A_114 : i32 to index
          %get3A_157 = arith.constant 80 : index
          %get3A_158 = tpu.vector_load %arg11[%get3A_156, %get3A_157] {strides = array<i32>} : memref<128x128xf32, #tpu.memory_space<vmem>>, vector<16xf32>,
          %mul3A_159 = arith.mulf %get3A_158, %gather3A : vector<16xf32>
          %swap3A_160 = arith.index_cast %add3A_114 : i32 to index
          %swap3A_161 = arith.constant 80 : index
          %swap3A_162 = tpu.vector_load %arg11[%swap3A_160, %swap3A_161] {strides = array<i32>} : memref<128x128xf32, #tpu.memory_space<vmem>>, vector<16xf32>,
          tpu.vector_store %arg11[%swap3A_160, %swap3A_161], %mul3A_159 {strides = array<i32>} : memref<128x128xf32, #tpu.memory_space<vmem>>, vector<16xf32>,
          %get3A_163 = arith.index_cast %add3A_114 : i32 to index
          %get3A_164 = arith.constant 96 : index
          %get3A_165 = tpu.vector_load %arg11[%get3A_163, %get3A_164] {strides = array<i32>} : memref<128x128xf32, #tpu.memory_space<vmem>>, vector<16xf32>,
          %mul3A_166 = arith.mulf %get3A_165, %gather3A : vector<16xf32>
          %swap3A_167 = arith.index_cast %add3A_114 : i32 to index
          %swap3A_168 = arith.constant 96 : index
          %swap3A_169 = tpu.vector_load %arg11[%swap3A_167, %swap3A_168] {strides = array<i32>} : memref<128x128xf32, #tpu.memory_space<vmem>>, vector<16xf32>,
          tpu.vector_store %arg11[%swap3A_167, %swap3A_168], %mul3A_166 {strides = array<i32>} : memref<128x128xf32, #tpu.memory_space<vmem>>, vector<16xf32>,
          %get3A_170 = arith.index_cast %add3A_114 : i32 to index
          %get3A_171 = arith.constant 112 : index
          %get3A_172 = tpu.vector_load %arg11[%get3A_170, %get3A_171] {strides = array<i32>} : memref<128x128xf32, #tpu.memory_space<vmem>>, vector<16xf32>,
          %mul3A_173 = arith.mulf %get3A_172, %gather3A : vector<16xf32>
          %swap3A_174 = arith.index_cast %add3A_114 : i32 to index
          %swap3A_175 = arith.constant 112 : index
          %swap3A_176 = tpu.vector_load %arg11[%swap3A_174, %swap3A_175] {strides = array<i32>} : memref<128x128xf32, #tpu.memory_space<vmem>>, vector<16xf32>,
          tpu.vector_store %arg11[%swap3A_174, %swap3A_175], %mul3A_173 {strides = array<i32>} : memref<128x128xf32, #tpu.memory_space<vmem>>, vector<16xf32>,
        }
        %scan3A_109 = arith.constant 128 : i32
        "tpu.region"() ({
          %run_scoped3A = tpu.sem_alloc : memref<!tpu.dma_semaphore, #tpu.memory_space<semaphore_mem>>
          %dma_start3A_110 = arith.constant 0 : i32
          %dma_start3A_111 = tpu.memref_slice %arg8[%add3A_102, %dma_start3A_110] : memref<40x128xi32, #tpu.memory_space<vmem>> -> memref<1x128xi32, #tpu.memory_space<vmem>>
          %dma_start3A_112 = tpu.memref_squeeze %dma_start3A_111 : memref<1x128xi32, #tpu.memory_space<vmem>> -> memref<128xi32, #tpu.memory_space<vmem>>
          %dma_start3A_113 = arith.constant 0 : i32
          %dma_start3A_114 = arith.constant 0 : i32
          %dma_start3A_115 = tpu.memref_slice %arg12[%dma_start3A_113, %dma_start3A_114] : memref<10240x128xf32, #tpu.memory_space<vmem_shared>> -> memref<10240x128xf32, #tpu.memory_space<vmem_shared>>
          tpu.enqueue_indirect_dma source(%arg11 : memref<128x128xf32, #tpu.memory_space<vmem>>) target(%dma_start3A_115 : memref<10240x128xf32, #tpu.memory_space<vmem_shared>>) offsets(%dma_start3A_112 : memref<128xi32, #tpu.memory_space<vmem>>) semaphore(%run_scoped3A : memref<!tpu.dma_semaphore, #tpu.memory_space<semaphore_mem>>) {add = true}
          %dma_wait3A_116 = arith.constant 0 : i32
          %dma_wait3A_117 = tpu.memref_slice %arg8[%add3A_102, %dma_wait3A_116] : memref<40x128xi32, #tpu.memory_space<vmem>> -> memref<1x128xi32, #tpu.memory_space<vmem>>
          %dma_wait3A_118 = tpu.memref_squeeze %dma_wait3A_117 : memref<1x128xi32, #tpu.memory_space<vmem>> -> memref<128xi32, #tpu.memory_space<vmem>>
          %dma_wait3A_119 = arith.constant 0 : i32
          %dma_wait3A_120 = arith.constant 0 : i32
          %dma_wait3A_121 = tpu.memref_slice %arg12[%dma_wait3A_119, %dma_wait3A_120] : memref<10240x128xf32, #tpu.memory_space<vmem_shared>> -> memref<10240x128xf32, #tpu.memory_space<vmem_shared>>
          tpu.wait_indirect_dma semaphore(%run_scoped3A : memref<!tpu.dma_semaphore, #tpu.memory_space<semaphore_mem>>) src(%arg11 : memref<128x128xf32, #tpu.memory_space<vmem>>) dst(%dma_wait3A_121 : memref<10240x128xf32, #tpu.memory_space<vmem_shared>>)
          tpu.yield
        }) : () -> ()
      }
      %scan3A_51 = arith.constant 20 : i32
      %add3A_52 = arith.constant 80 : i32
      %add3A_53 = arith.addi %mul3A_25, %add3A_52 : i32
      "tpu.region"() ({
        %run_scoped3A = tpu.sem_alloc : memref<!tpu.dma_semaphore, #tpu.memory_space<semaphore_mem>>
        %dma_start3A_66 = arith.constant 0 : i32
        %dma_start3A_67 = tpu.memref_slice %arg3[%add3A_53, %dma_start3A_66] : memref<2560x128xi32, #tpu.memory_space<hbm>> -> memref<40x128xi32, #tpu.memory_space<hbm>>
        %dma_start3A_68 = arith.constant 0 : i32
        %dma_start3A_69 = tpu.memref_slice %arg3[%add3A_53, %dma_start3A_68] : memref<2560x128xi32, #tpu.memory_space<hbm>> -> memref<40x128xi32, #tpu.memory_space<hbm>>
        tpu.enqueue_dma source(%dma_start3A_69 : memref<40x128xi32, #tpu.memory_space<hbm>>) target(%arg7 : memref<40x128xi32, #tpu.memory_space<vmem>>) target_semaphore(%run_scoped3A : memref<!tpu.dma_semaphore, #tpu.memory_space<semaphore_mem>>)
        %dma_wait3A = arith.constant 0 : i32
        %dma_wait3A_70 = tpu.memref_slice %arg3[%add3A_53, %dma_wait3A] : memref<2560x128xi32, #tpu.memory_space<hbm>> -> memref<40x128xi32, #tpu.memory_space<hbm>>
        %dma_wait3A_71 = arith.constant 0 : i32
        %dma_wait3A_72 = tpu.memref_slice %arg3[%add3A_53, %dma_wait3A_71] : memref<2560x128xi32, #tpu.memory_space<hbm>> -> memref<40x128xi32, #tpu.memory_space<hbm>>
        tpu.wait_dma2 semaphore(%run_scoped3A : memref<!tpu.dma_semaphore, #tpu.memory_space<semaphore_mem>>) src(%dma_wait3A_72 : memref<40x128xi32, #tpu.memory_space<hbm>>) dst(%arg7 : memref<40x128xi32, #tpu.memory_space<vmem>>)
        tpu.yield
      }) : () -> ()
      "tpu.region"() ({
        %run_scoped3A = tpu.sem_alloc : memref<!tpu.dma_semaphore, #tpu.memory_space<semaphore_mem>>
        %dma_start3A_66 = arith.constant 0 : i32
        %dma_start3A_67 = tpu.memref_slice %arg4[%add3A_53, %dma_start3A_66] : memref<2560x128xi32, #tpu.memory_space<hbm>> -> memref<40x128xi32, #tpu.memory_space<hbm>>
        %dma_start3A_68 = arith.constant 0 : i32
        %dma_start3A_69 = tpu.memref_slice %arg4[%add3A_53, %dma_start3A_68] : memref<2560x128xi32, #tpu.memory_space<hbm>> -> memref<40x128xi32, #tpu.memory_space<hbm>>
        tpu.enqueue_dma source(%dma_start3A_69 : memref<40x128xi32, #tpu.memory_space<hbm>>) target(%arg8 : memref<40x128xi32, #tpu.memory_space<vmem>>) target_semaphore(%run_scoped3A : memref<!tpu.dma_semaphore, #tpu.memory_space<semaphore_mem>>)
        %dma_wait3A = arith.constant 0 : i32
        %dma_wait3A_70 = tpu.memref_slice %arg4[%add3A_53, %dma_wait3A] : memref<2560x128xi32, #tpu.memory_space<hbm>> -> memref<40x128xi32, #tpu.memory_space<hbm>>
        %dma_wait3A_71 = arith.constant 0 : i32
        %dma_wait3A_72 = tpu.memref_slice %arg4[%add3A_53, %dma_wait3A_71] : memref<2560x128xi32, #tpu.memory_space<hbm>> -> memref<40x128xi32, #tpu.memory_space<hbm>>
        tpu.wait_dma2 semaphore(%run_scoped3A : memref<!tpu.dma_semaphore, #tpu.memory_space<semaphore_mem>>) src(%dma_wait3A_72 : memref<40x128xi32, #tpu.memory_space<hbm>>) dst(%arg8 : memref<40x128xi32, #tpu.memory_space<vmem>>)
        tpu.yield
      }) : () -> ()
      "tpu.region"() ({
        %run_scoped3A = tpu.sem_alloc : memref<!tpu.dma_semaphore, #tpu.memory_space<semaphore_mem>>
        %dma_start3A_66 = arith.constant 0 : i32
        %dma_start3A_67 = tpu.memref_slice %arg5[%add3A_53, %dma_start3A_66] : memref<2560x128xf32, #tpu.memory_space<hbm>> -> memref<40x128xf32, #tpu.memory_space<hbm>>
        %dma_start3A_68 = arith.constant 0 : i32
        %dma_start3A_69 = tpu.memref_slice %arg5[%add3A_53, %dma_start3A_68] : memref<2560x128xf32, #tpu.memory_space<hbm>> -> memref<40x128xf32, #tpu.memory_space<hbm>>
        tpu.enqueue_dma source(%dma_start3A_69 : memref<40x128xf32, #tpu.memory_space<hbm>>) target(%arg9 : memref<40x128xf32, #tpu.memory_space<vmem>>) target_semaphore(%run_scoped3A : memref<!tpu.dma_semaphore, #tpu.memory_space<semaphore_mem>>)
        %dma_wait3A = arith.constant 0 : i32
        %dma_wait3A_70 = tpu.memref_slice %arg5[%add3A_53, %dma_wait3A] : memref<2560x128xf32, #tpu.memory_space<hbm>> -> memref<40x128xf32, #tpu.memory_space<hbm>>
        %dma_wait3A_71 = arith.constant 0 : i32
        %dma_wait3A_72 = tpu.memref_slice %arg5[%add3A_53, %dma_wait3A_71] : memref<2560x128xf32, #tpu.memory_space<hbm>> -> memref<40x128xf32, #tpu.memory_space<hbm>>
        tpu.wait_dma2 semaphore(%run_scoped3A : memref<!tpu.dma_semaphore, #tpu.memory_space<semaphore_mem>>) src(%dma_wait3A_72 : memref<40x128xf32, #tpu.memory_space<hbm>>) dst(%arg9 : memref<40x128xf32, #tpu.memory_space<vmem>>)
        tpu.yield
      }) : () -> ()
      %dma_start3A_54 = arith.constant 0 : i32
      %dma_start3A_55 = arith.constant 0 : i32
      %dma_start3A_56 = tpu.memref_slice %arg7[%dma_start3A_54, %dma_start3A_55] : memref<40x128xi32, #tpu.memory_space<vmem>> -> memref<1x128xi32, #tpu.memory_space<vmem>>
      %dma_start3A_57 = tpu.memref_squeeze %dma_start3A_56 : memref<1x128xi32, #tpu.memory_space<vmem>> -> memref<128xi32, #tpu.memory_space<vmem>>
      %dma_start3A_58 = arith.constant 0 : i32
      %dma_start3A_59 = arith.constant 0 : i32
      %dma_start3A_60 = tpu.memref_slice %arg2[%dma_start3A_58, %dma_start3A_59] : memref<10000x128xf32, #tpu.memory_space<hbm>> -> memref<10000x128xf32, #tpu.memory_space<hbm>>
      tpu.enqueue_indirect_dma source(%dma_start3A_60 : memref<10000x128xf32, #tpu.memory_space<hbm>>) target(%arg10 : memref<128x128xf32, #tpu.memory_space<vmem>>) offsets(%dma_start3A_57 : memref<128xi32, #tpu.memory_space<vmem>>) semaphore(%arg13 : memref<!tpu.dma_semaphore, #tpu.memory_space<semaphore_mem>>)
      %scan3A_61 = arith.constant 0 : i32
      %scan3A_62 = arith.constant 20 : i32
      %scan3A_63 = arith.addi %scan3A_61, %scan3A_62 : i32
      %scan3A_64 = arith.constant 1 : i32
      scf.for %scan3A_66 = %scan3A_61 to %scan3A_63 step %scan3A_64  : i32 {
        %mul3A_67 = arith.constant 1 : i32
        %mul3A_68 = arith.muli %scan3A_66, %mul3A_67 : i32
        %add3A_69 = arith.constant 0 : i32
        %add3A_70 = arith.addi %add3A_69, %mul3A_68 : i32
        %mul3A_71 = arith.constant 2 : i32
        %mul3A_72 = arith.muli %mul3A_71, %add3A_70 : i32
        %add3A_73 = arith.constant 1 : i32
        %add3A_74 = arith.addi %mul3A_72, %add3A_73 : i32
        %dma_start3A_75 = arith.constant 0 : i32
        %dma_start3A_76 = tpu.memref_slice %arg7[%add3A_74, %dma_start3A_75] : memref<40x128xi32, #tpu.memory_space<vmem>> -> memref<1x128xi32, #tpu.memory_space<vmem>>
        %dma_start3A_77 = tpu.memref_squeeze %dma_start3A_76 : memref<1x128xi32, #tpu.memory_space<vmem>> -> memref<128xi32, #tpu.memory_space<vmem>>
        %dma_start3A_78 = arith.constant 0 : i32
        %dma_start3A_79 = arith.constant 0 : i32
        %dma_start3A_80 = tpu.memref_slice %arg2[%dma_start3A_78, %dma_start3A_79] : memref<10000x128xf32, #tpu.memory_space<hbm>> -> memref<10000x128xf32, #tpu.memory_space<hbm>>
        tpu.enqueue_indirect_dma source(%dma_start3A_80 : memref<10000x128xf32, #tpu.memory_space<hbm>>) target(%arg11 : memref<128x128xf32, #tpu.memory_space<vmem>>) offsets(%dma_start3A_77 : memref<128xi32, #tpu.memory_space<vmem>>) semaphore(%arg14 : memref<!tpu.dma_semaphore, #tpu.memory_space<semaphore_mem>>)
        %dma_wait3A = arith.constant 0 : i32
        %dma_wait3A_81 = arith.constant 0 : i32
        %dma_wait3A_82 = tpu.memref_slice %arg2[%dma_wait3A, %dma_wait3A_81] : memref<10000x128xf32, #tpu.memory_space<hbm>> -> memref<128x128xf32, #tpu.memory_space<hbm>>
        %dma_wait3A_83 = arith.constant 0 : i32
        %dma_wait3A_84 = arith.constant 0 : i32
        %dma_wait3A_85 = tpu.memref_slice %arg2[%dma_wait3A_83, %dma_wait3A_84] : memref<10000x128xf32, #tpu.memory_space<hbm>> -> memref<128x128xf32, #tpu.memory_space<hbm>>
        tpu.wait_dma2 semaphore(%arg13 : memref<!tpu.dma_semaphore, #tpu.memory_space<semaphore_mem>>) src(%dma_wait3A_85 : memref<128x128xf32, #tpu.memory_space<hbm>>) dst(%arg10 : memref<128x128xf32, #tpu.memory_space<vmem>>)
        %scan3A_86 = arith.constant 0 : i32
        %scan3A_87 = arith.constant 128 : i32
        %scan3A_88 = arith.addi %scan3A_86, %scan3A_87 : i32
        %scan3A_89 = arith.constant 1 : i32
        scf.for %scan3A_110 = %scan3A_86 to %scan3A_88 step %scan3A_89  : i32 {
          %mul3A_111 = arith.constant 1 : i32
          %mul3A_112 = arith.muli %scan3A_110, %mul3A_111 : i32
          %add3A_113 = arith.constant 0 : i32
          %add3A_114 = arith.addi %add3A_113, %mul3A_112 : i32
          %broadcast_in_dim3A_115 = arith.constant 0 : i32
          %broadcast_in_dim3A_116 = vector.broadcast %broadcast_in_dim3A_115 : i32 to vector<16xi32>
          %add3A_117 = vector.broadcast %add3A_114 : i32 to vector<16xi32>
          %add3A_118 = arith.addi %broadcast_in_dim3A_116, %add3A_117 : vector<16xi32>
          %broadcast_in_dim3A_119 = arith.constant 0 : i32
          %broadcast_in_dim3A_120 = vector.broadcast %broadcast_in_dim3A_119 : i32 to vector<16xi32>
          %add3A_121 = vector.broadcast %mul3A_72 : i32 to vector<16xi32>
          %add3A_122 = arith.addi %broadcast_in_dim3A_120, %add3A_121 : vector<16xi32>
          %gather3A = tpu.vector_load_idx %arg9[%add3A_122, %add3A_118] : memref<40x128xf32, #tpu.memory_space<vmem>>[vector<16xi32>, vector<16xi32>], vector<16xf32>,
          %get3A = arith.index_cast %add3A_114 : i32 to index
          %get3A_123 = arith.constant 0 : index
          %get3A_124 = tpu.vector_load %arg10[%get3A, %get3A_123] {strides = array<i32>} : memref<128x128xf32, #tpu.memory_space<vmem>>, vector<16xf32>,
          %mul3A_125 = arith.mulf %get3A_124, %gather3A : vector<16xf32>
          %swap3A = arith.index_cast %add3A_114 : i32 to index
          %swap3A_126 = arith.constant 0 : index
          %swap3A_127 = tpu.vector_load %arg10[%swap3A, %swap3A_126] {strides = array<i32>} : memref<128x128xf32, #tpu.memory_space<vmem>>, vector<16xf32>,
          tpu.vector_store %arg10[%swap3A, %swap3A_126], %mul3A_125 {strides = array<i32>} : memref<128x128xf32, #tpu.memory_space<vmem>>, vector<16xf32>,
          %get3A_128 = arith.index_cast %add3A_114 : i32 to index
          %get3A_129 = arith.constant 16 : index
          %get3A_130 = tpu.vector_load %arg10[%get3A_128, %get3A_129] {strides = array<i32>} : memref<128x128xf32, #tpu.memory_space<vmem>>, vector<16xf32>,
          %mul3A_131 = arith.mulf %get3A_130, %gather3A : vector<16xf32>
          %swap3A_132 = arith.index_cast %add3A_114 : i32 to index
          %swap3A_133 = arith.constant 16 : index
          %swap3A_134 = tpu.vector_load %arg10[%swap3A_132, %swap3A_133] {strides = array<i32>} : memref<128x128xf32, #tpu.memory_space<vmem>>, vector<16xf32>,
          tpu.vector_store %arg10[%swap3A_132, %swap3A_133], %mul3A_131 {strides = array<i32>} : memref<128x128xf32, #tpu.memory_space<vmem>>, vector<16xf32>,
          %get3A_135 = arith.index_cast %add3A_114 : i32 to index
          %get3A_136 = arith.constant 32 : index
          %get3A_137 = tpu.vector_load %arg10[%get3A_135, %get3A_136] {strides = array<i32>} : memref<128x128xf32, #tpu.memory_space<vmem>>, vector<16xf32>,
          %mul3A_138 = arith.mulf %get3A_137, %gather3A : vector<16xf32>
          %swap3A_139 = arith.index_cast %add3A_114 : i32 to index
          %swap3A_140 = arith.constant 32 : index
          %swap3A_141 = tpu.vector_load %arg10[%swap3A_139, %swap3A_140] {strides = array<i32>} : memref<128x128xf32, #tpu.memory_space<vmem>>, vector<16xf32>,
          tpu.vector_store %arg10[%swap3A_139, %swap3A_140], %mul3A_138 {strides = array<i32>} : memref<128x128xf32, #tpu.memory_space<vmem>>, vector<16xf32>,
          %get3A_142 = arith.index_cast %add3A_114 : i32 to index
          %get3A_143 = arith.constant 48 : index
          %get3A_144 = tpu.vector_load %arg10[%get3A_142, %get3A_143] {strides = array<i32>} : memref<128x128xf32, #tpu.memory_space<vmem>>, vector<16xf32>,
          %mul3A_145 = arith.mulf %get3A_144, %gather3A : vector<16xf32>
          %swap3A_146 = arith.index_cast %add3A_114 : i32 to index
          %swap3A_147 = arith.constant 48 : index
          %swap3A_148 = tpu.vector_load %arg10[%swap3A_146, %swap3A_147] {strides = array<i32>} : memref<128x128xf32, #tpu.memory_space<vmem>>, vector<16xf32>,
          tpu.vector_store %arg10[%swap3A_146, %swap3A_147], %mul3A_145 {strides = array<i32>} : memref<128x128xf32, #tpu.memory_space<vmem>>, vector<16xf32>,
          %get3A_149 = arith.index_cast %add3A_114 : i32 to index
          %get3A_150 = arith.constant 64 : index
          %get3A_151 = tpu.vector_load %arg10[%get3A_149, %get3A_150] {strides = array<i32>} : memref<128x128xf32, #tpu.memory_space<vmem>>, vector<16xf32>,
          %mul3A_152 = arith.mulf %get3A_151, %gather3A : vector<16xf32>
          %swap3A_153 = arith.index_cast %add3A_114 : i32 to index
          %swap3A_154 = arith.constant 64 : index
          %swap3A_155 = tpu.vector_load %arg10[%swap3A_153, %swap3A_154] {strides = array<i32>} : memref<128x128xf32, #tpu.memory_space<vmem>>, vector<16xf32>,
          tpu.vector_store %arg10[%swap3A_153, %swap3A_154], %mul3A_152 {strides = array<i32>} : memref<128x128xf32, #tpu.memory_space<vmem>>, vector<16xf32>,
          %get3A_156 = arith.index_cast %add3A_114 : i32 to index
          %get3A_157 = arith.constant 80 : index
          %get3A_158 = tpu.vector_load %arg10[%get3A_156, %get3A_157] {strides = array<i32>} : memref<128x128xf32, #tpu.memory_space<vmem>>, vector<16xf32>,
          %mul3A_159 = arith.mulf %get3A_158, %gather3A : vector<16xf32>
          %swap3A_160 = arith.index_cast %add3A_114 : i32 to index
          %swap3A_161 = arith.constant 80 : index
          %swap3A_162 = tpu.vector_load %arg10[%swap3A_160, %swap3A_161] {strides = array<i32>} : memref<128x128xf32, #tpu.memory_space<vmem>>, vector<16xf32>,
          tpu.vector_store %arg10[%swap3A_160, %swap3A_161], %mul3A_159 {strides = array<i32>} : memref<128x128xf32, #tpu.memory_space<vmem>>, vector<16xf32>,
          %get3A_163 = arith.index_cast %add3A_114 : i32 to index
          %get3A_164 = arith.constant 96 : index
          %get3A_165 = tpu.vector_load %arg10[%get3A_163, %get3A_164] {strides = array<i32>} : memref<128x128xf32, #tpu.memory_space<vmem>>, vector<16xf32>,
          %mul3A_166 = arith.mulf %get3A_165, %gather3A : vector<16xf32>
          %swap3A_167 = arith.index_cast %add3A_114 : i32 to index
          %swap3A_168 = arith.constant 96 : index
          %swap3A_169 = tpu.vector_load %arg10[%swap3A_167, %swap3A_168] {strides = array<i32>} : memref<128x128xf32, #tpu.memory_space<vmem>>, vector<16xf32>,
          tpu.vector_store %arg10[%swap3A_167, %swap3A_168], %mul3A_166 {strides = array<i32>} : memref<128x128xf32, #tpu.memory_space<vmem>>, vector<16xf32>,
          %get3A_170 = arith.index_cast %add3A_114 : i32 to index
          %get3A_171 = arith.constant 112 : index
          %get3A_172 = tpu.vector_load %arg10[%get3A_170, %get3A_171] {strides = array<i32>} : memref<128x128xf32, #tpu.memory_space<vmem>>, vector<16xf32>,
          %mul3A_173 = arith.mulf %get3A_172, %gather3A : vector<16xf32>
          %swap3A_174 = arith.index_cast %add3A_114 : i32 to index
          %swap3A_175 = arith.constant 112 : index
          %swap3A_176 = tpu.vector_load %arg10[%swap3A_174, %swap3A_175] {strides = array<i32>} : memref<128x128xf32, #tpu.memory_space<vmem>>, vector<16xf32>,
          tpu.vector_store %arg10[%swap3A_174, %swap3A_175], %mul3A_173 {strides = array<i32>} : memref<128x128xf32, #tpu.memory_space<vmem>>, vector<16xf32>,
        }
        %scan3A_90 = arith.constant 128 : i32
        "tpu.region"() ({
          %run_scoped3A = tpu.sem_alloc : memref<!tpu.dma_semaphore, #tpu.memory_space<semaphore_mem>>
          %dma_start3A_110 = arith.constant 0 : i32
          %dma_start3A_111 = tpu.memref_slice %arg8[%mul3A_72, %dma_start3A_110] : memref<40x128xi32, #tpu.memory_space<vmem>> -> memref<1x128xi32, #tpu.memory_space<vmem>>
          %dma_start3A_112 = tpu.memref_squeeze %dma_start3A_111 : memref<1x128xi32, #tpu.memory_space<vmem>> -> memref<128xi32, #tpu.memory_space<vmem>>
          %dma_start3A_113 = arith.constant 0 : i32
          %dma_start3A_114 = arith.constant 0 : i32
          %dma_start3A_115 = tpu.memref_slice %arg12[%dma_start3A_113, %dma_start3A_114] : memref<10240x128xf32, #tpu.memory_space<vmem_shared>> -> memref<10240x128xf32, #tpu.memory_space<vmem_shared>>
          tpu.enqueue_indirect_dma source(%arg10 : memref<128x128xf32, #tpu.memory_space<vmem>>) target(%dma_start3A_115 : memref<10240x128xf32, #tpu.memory_space<vmem_shared>>) offsets(%dma_start3A_112 : memref<128xi32, #tpu.memory_space<vmem>>) semaphore(%run_scoped3A : memref<!tpu.dma_semaphore, #tpu.memory_space<semaphore_mem>>) {add = true}
          %dma_wait3A_116 = arith.constant 0 : i32
          %dma_wait3A_117 = tpu.memref_slice %arg8[%mul3A_72, %dma_wait3A_116] : memref<40x128xi32, #tpu.memory_space<vmem>> -> memref<1x128xi32, #tpu.memory_space<vmem>>
          %dma_wait3A_118 = tpu.memref_squeeze %dma_wait3A_117 : memref<1x128xi32, #tpu.memory_space<vmem>> -> memref<128xi32, #tpu.memory_space<vmem>>
          %dma_wait3A_119 = arith.constant 0 : i32
          %dma_wait3A_120 = arith.constant 0 : i32
          %dma_wait3A_121 = tpu.memref_slice %arg12[%dma_wait3A_119, %dma_wait3A_120] : memref<10240x128xf32, #tpu.memory_space<vmem_shared>> -> memref<10240x128xf32, #tpu.memory_space<vmem_shared>>
          tpu.wait_indirect_dma semaphore(%run_scoped3A : memref<!tpu.dma_semaphore, #tpu.memory_space<semaphore_mem>>) src(%arg10 : memref<128x128xf32, #tpu.memory_space<vmem>>) dst(%dma_wait3A_121 : memref<10240x128xf32, #tpu.memory_space<vmem_shared>>)
          tpu.yield
        }) : () -> ()
        %lt3A = arith.constant 19 : i32
        %lt3A_91 = arith.cmpi slt, %add3A_70, %lt3A : i32
        %convert_element_type3A_92 = arith.extui %lt3A_91 : i1 to i32
        %cond3A_93 = arith.constant 0 : i32
        %cond3A_94 = arith.cmpi ne, %convert_element_type3A_92, %cond3A_93 : i32
        scf.if %cond3A_94 {
          %add3A_110 = arith.constant 2 : i32
          %add3A_111 = arith.addi %mul3A_72, %add3A_110 : i32
          %dma_start3A_112 = arith.constant 0 : i32
          %dma_start3A_113 = tpu.memref_slice %arg7[%add3A_111, %dma_start3A_112] : memref<40x128xi32, #tpu.memory_space<vmem>> -> memref<1x128xi32, #tpu.memory_space<vmem>>
          %dma_start3A_114 = tpu.memref_squeeze %dma_start3A_113 : memref<1x128xi32, #tpu.memory_space<vmem>> -> memref<128xi32, #tpu.memory_space<vmem>>
          %dma_start3A_115 = arith.constant 0 : i32
          %dma_start3A_116 = arith.constant 0 : i32
          %dma_start3A_117 = tpu.memref_slice %arg2[%dma_start3A_115, %dma_start3A_116] : memref<10000x128xf32, #tpu.memory_space<hbm>> -> memref<10000x128xf32, #tpu.memory_space<hbm>>
          tpu.enqueue_indirect_dma source(%dma_start3A_117 : memref<10000x128xf32, #tpu.memory_space<hbm>>) target(%arg10 : memref<128x128xf32, #tpu.memory_space<vmem>>) offsets(%dma_start3A_114 : memref<128xi32, #tpu.memory_space<vmem>>) semaphore(%arg13 : memref<!tpu.dma_semaphore, #tpu.memory_space<semaphore_mem>>)
        } else {
        }
        %dma_wait3A_95 = arith.constant 0 : i32
        %dma_wait3A_96 = arith.constant 0 : i32
        %dma_wait3A_97 = tpu.memref_slice %arg2[%dma_wait3A_95, %dma_wait3A_96] : memref<10000x128xf32, #tpu.memory_space<hbm>> -> memref<128x128xf32, #tpu.memory_space<hbm>>
        %dma_wait3A_98 = arith.constant 0 : i32
        %dma_wait3A_99 = arith.constant 0 : i32
        %dma_wait3A_100 = tpu.memref_slice %arg2[%dma_wait3A_98, %dma_wait3A_99] : memref<10000x128xf32, #tpu.memory_space<hbm>> -> memref<128x128xf32, #tpu.memory_space<hbm>>
        tpu.wait_dma2 semaphore(%arg14 : memref<!tpu.dma_semaphore, #tpu.memory_space<semaphore_mem>>) src(%dma_wait3A_100 : memref<128x128xf32, #tpu.memory_space<hbm>>) dst(%arg11 : memref<128x128xf32, #tpu.memory_space<vmem>>)
        %add3A_101 = arith.constant 1 : i32
        %add3A_102 = arith.addi %mul3A_72, %add3A_101 : i32
        %add3A_103 = arith.constant 1 : i32
        %add3A_104 = arith.addi %mul3A_72, %add3A_103 : i32
        %scan3A_105 = arith.constant 0 : i32
        %scan3A_106 = arith.constant 128 : i32
        %scan3A_107 = arith.addi %scan3A_105, %scan3A_106 : i32
        %scan3A_108 = arith.constant 1 : i32
        scf.for %scan3A_110 = %scan3A_105 to %scan3A_107 step %scan3A_108  : i32 {
          %mul3A_111 = arith.constant 1 : i32
          %mul3A_112 = arith.muli %scan3A_110, %mul3A_111 : i32
          %add3A_113 = arith.constant 0 : i32
          %add3A_114 = arith.addi %add3A_113, %mul3A_112 : i32
          %broadcast_in_dim3A_115 = arith.constant 0 : i32
          %broadcast_in_dim3A_116 = vector.broadcast %broadcast_in_dim3A_115 : i32 to vector<16xi32>
          %add3A_117 = vector.broadcast %add3A_114 : i32 to vector<16xi32>
          %add3A_118 = arith.addi %broadcast_in_dim3A_116, %add3A_117 : vector<16xi32>
          %broadcast_in_dim3A_119 = arith.constant 0 : i32
          %broadcast_in_dim3A_120 = vector.broadcast %broadcast_in_dim3A_119 : i32 to vector<16xi32>
          %add3A_121 = vector.broadcast %add3A_104 : i32 to vector<16xi32>
          %add3A_122 = arith.addi %broadcast_in_dim3A_120, %add3A_121 : vector<16xi32>
          %gather3A = tpu.vector_load_idx %arg9[%add3A_122, %add3A_118] : memref<40x128xf32, #tpu.memory_space<vmem>>[vector<16xi32>, vector<16xi32>], vector<16xf32>,
          %get3A = arith.index_cast %add3A_114 : i32 to index
          %get3A_123 = arith.constant 0 : index
          %get3A_124 = tpu.vector_load %arg11[%get3A, %get3A_123] {strides = array<i32>} : memref<128x128xf32, #tpu.memory_space<vmem>>, vector<16xf32>,
          %mul3A_125 = arith.mulf %get3A_124, %gather3A : vector<16xf32>
          %swap3A = arith.index_cast %add3A_114 : i32 to index
          %swap3A_126 = arith.constant 0 : index
          %swap3A_127 = tpu.vector_load %arg11[%swap3A, %swap3A_126] {strides = array<i32>} : memref<128x128xf32, #tpu.memory_space<vmem>>, vector<16xf32>,
          tpu.vector_store %arg11[%swap3A, %swap3A_126], %mul3A_125 {strides = array<i32>} : memref<128x128xf32, #tpu.memory_space<vmem>>, vector<16xf32>,
          %get3A_128 = arith.index_cast %add3A_114 : i32 to index
          %get3A_129 = arith.constant 16 : index
          %get3A_130 = tpu.vector_load %arg11[%get3A_128, %get3A_129] {strides = array<i32>} : memref<128x128xf32, #tpu.memory_space<vmem>>, vector<16xf32>,
          %mul3A_131 = arith.mulf %get3A_130, %gather3A : vector<16xf32>
          %swap3A_132 = arith.index_cast %add3A_114 : i32 to index
          %swap3A_133 = arith.constant 16 : index
          %swap3A_134 = tpu.vector_load %arg11[%swap3A_132, %swap3A_133] {strides = array<i32>} : memref<128x128xf32, #tpu.memory_space<vmem>>, vector<16xf32>,
          tpu.vector_store %arg11[%swap3A_132, %swap3A_133], %mul3A_131 {strides = array<i32>} : memref<128x128xf32, #tpu.memory_space<vmem>>, vector<16xf32>,
          %get3A_135 = arith.index_cast %add3A_114 : i32 to index
          %get3A_136 = arith.constant 32 : index
          %get3A_137 = tpu.vector_load %arg11[%get3A_135, %get3A_136] {strides = array<i32>} : memref<128x128xf32, #tpu.memory_space<vmem>>, vector<16xf32>,
          %mul3A_138 = arith.mulf %get3A_137, %gather3A : vector<16xf32>
          %swap3A_139 = arith.index_cast %add3A_114 : i32 to index
          %swap3A_140 = arith.constant 32 : index
          %swap3A_141 = tpu.vector_load %arg11[%swap3A_139, %swap3A_140] {strides = array<i32>} : memref<128x128xf32, #tpu.memory_space<vmem>>, vector<16xf32>,
          tpu.vector_store %arg11[%swap3A_139, %swap3A_140], %mul3A_138 {strides = array<i32>} : memref<128x128xf32, #tpu.memory_space<vmem>>, vector<16xf32>,
          %get3A_142 = arith.index_cast %add3A_114 : i32 to index
          %get3A_143 = arith.constant 48 : index
          %get3A_144 = tpu.vector_load %arg11[%get3A_142, %get3A_143] {strides = array<i32>} : memref<128x128xf32, #tpu.memory_space<vmem>>, vector<16xf32>,
          %mul3A_145 = arith.mulf %get3A_144, %gather3A : vector<16xf32>
          %swap3A_146 = arith.index_cast %add3A_114 : i32 to index
          %swap3A_147 = arith.constant 48 : index
          %swap3A_148 = tpu.vector_load %arg11[%swap3A_146, %swap3A_147] {strides = array<i32>} : memref<128x128xf32, #tpu.memory_space<vmem>>, vector<16xf32>,
          tpu.vector_store %arg11[%swap3A_146, %swap3A_147], %mul3A_145 {strides = array<i32>} : memref<128x128xf32, #tpu.memory_space<vmem>>, vector<16xf32>,
          %get3A_149 = arith.index_cast %add3A_114 : i32 to index
          %get3A_150 = arith.constant 64 : index
          %get3A_151 = tpu.vector_load %arg11[%get3A_149, %get3A_150] {strides = array<i32>} : memref<128x128xf32, #tpu.memory_space<vmem>>, vector<16xf32>,
          %mul3A_152 = arith.mulf %get3A_151, %gather3A : vector<16xf32>
          %swap3A_153 = arith.index_cast %add3A_114 : i32 to index
          %swap3A_154 = arith.constant 64 : index
          %swap3A_155 = tpu.vector_load %arg11[%swap3A_153, %swap3A_154] {strides = array<i32>} : memref<128x128xf32, #tpu.memory_space<vmem>>, vector<16xf32>,
          tpu.vector_store %arg11[%swap3A_153, %swap3A_154], %mul3A_152 {strides = array<i32>} : memref<128x128xf32, #tpu.memory_space<vmem>>, vector<16xf32>,
          %get3A_156 = arith.index_cast %add3A_114 : i32 to index
          %get3A_157 = arith.constant 80 : index
          %get3A_158 = tpu.vector_load %arg11[%get3A_156, %get3A_157] {strides = array<i32>} : memref<128x128xf32, #tpu.memory_space<vmem>>, vector<16xf32>,
          %mul3A_159 = arith.mulf %get3A_158, %gather3A : vector<16xf32>
          %swap3A_160 = arith.index_cast %add3A_114 : i32 to index
          %swap3A_161 = arith.constant 80 : index
          %swap3A_162 = tpu.vector_load %arg11[%swap3A_160, %swap3A_161] {strides = array<i32>} : memref<128x128xf32, #tpu.memory_space<vmem>>, vector<16xf32>,
          tpu.vector_store %arg11[%swap3A_160, %swap3A_161], %mul3A_159 {strides = array<i32>} : memref<128x128xf32, #tpu.memory_space<vmem>>, vector<16xf32>,
          %get3A_163 = arith.index_cast %add3A_114 : i32 to index
          %get3A_164 = arith.constant 96 : index
          %get3A_165 = tpu.vector_load %arg11[%get3A_163, %get3A_164] {strides = array<i32>} : memref<128x128xf32, #tpu.memory_space<vmem>>, vector<16xf32>,
          %mul3A_166 = arith.mulf %get3A_165, %gather3A : vector<16xf32>
          %swap3A_167 = arith.index_cast %add3A_114 : i32 to index
          %swap3A_168 = arith.constant 96 : index
          %swap3A_169 = tpu.vector_load %arg11[%swap3A_167, %swap3A_168] {strides = array<i32>} : memref<128x128xf32, #tpu.memory_space<vmem>>, vector<16xf32>,
          tpu.vector_store %arg11[%swap3A_167, %swap3A_168], %mul3A_166 {strides = array<i32>} : memref<128x128xf32, #tpu.memory_space<vmem>>, vector<16xf32>,
          %get3A_170 = arith.index_cast %add3A_114 : i32 to index
          %get3A_171 = arith.constant 112 : index
          %get3A_172 = tpu.vector_load %arg11[%get3A_170, %get3A_171] {strides = array<i32>} : memref<128x128xf32, #tpu.memory_space<vmem>>, vector<16xf32>,
          %mul3A_173 = arith.mulf %get3A_172, %gather3A : vector<16xf32>
          %swap3A_174 = arith.index_cast %add3A_114 : i32 to index
          %swap3A_175 = arith.constant 112 : index
          %swap3A_176 = tpu.vector_load %arg11[%swap3A_174, %swap3A_175] {strides = array<i32>} : memref<128x128xf32, #tpu.memory_space<vmem>>, vector<16xf32>,
          tpu.vector_store %arg11[%swap3A_174, %swap3A_175], %mul3A_173 {strides = array<i32>} : memref<128x128xf32, #tpu.memory_space<vmem>>, vector<16xf32>,
        }
        %scan3A_109 = arith.constant 128 : i32
        "tpu.region"() ({
          %run_scoped3A = tpu.sem_alloc : memref<!tpu.dma_semaphore, #tpu.memory_space<semaphore_mem>>
          %dma_start3A_110 = arith.constant 0 : i32
          %dma_start3A_111 = tpu.memref_slice %arg8[%add3A_102, %dma_start3A_110] : memref<40x128xi32, #tpu.memory_space<vmem>> -> memref<1x128xi32, #tpu.memory_space<vmem>>
          %dma_start3A_112 = tpu.memref_squeeze %dma_start3A_111 : memref<1x128xi32, #tpu.memory_space<vmem>> -> memref<128xi32, #tpu.memory_space<vmem>>
          %dma_start3A_113 = arith.constant 0 : i32
          %dma_start3A_114 = arith.constant 0 : i32
          %dma_start3A_115 = tpu.memref_slice %arg12[%dma_start3A_113, %dma_start3A_114] : memref<10240x128xf32, #tpu.memory_space<vmem_shared>> -> memref<10240x128xf32, #tpu.memory_space<vmem_shared>>
          tpu.enqueue_indirect_dma source(%arg11 : memref<128x128xf32, #tpu.memory_space<vmem>>) target(%dma_start3A_115 : memref<10240x128xf32, #tpu.memory_space<vmem_shared>>) offsets(%dma_start3A_112 : memref<128xi32, #tpu.memory_space<vmem>>) semaphore(%run_scoped3A : memref<!tpu.dma_semaphore, #tpu.memory_space<semaphore_mem>>) {add = true}
          %dma_wait3A_116 = arith.constant 0 : i32
          %dma_wait3A_117 = tpu.memref_slice %arg8[%add3A_102, %dma_wait3A_116] : memref<40x128xi32, #tpu.memory_space<vmem>> -> memref<1x128xi32, #tpu.memory_space<vmem>>
          %dma_wait3A_118 = tpu.memref_squeeze %dma_wait3A_117 : memref<1x128xi32, #tpu.memory_space<vmem>> -> memref<128xi32, #tpu.memory_space<vmem>>
          %dma_wait3A_119 = arith.constant 0 : i32
          %dma_wait3A_120 = arith.constant 0 : i32
          %dma_wait3A_121 = tpu.memref_slice %arg12[%dma_wait3A_119, %dma_wait3A_120] : memref<10240x128xf32, #tpu.memory_space<vmem_shared>> -> memref<10240x128xf32, #tpu.memory_space<vmem_shared>>
          tpu.wait_indirect_dma semaphore(%run_scoped3A : memref<!tpu.dma_semaphore, #tpu.memory_space<semaphore_mem>>) src(%arg11 : memref<128x128xf32, #tpu.memory_space<vmem>>) dst(%dma_wait3A_121 : memref<10240x128xf32, #tpu.memory_space<vmem_shared>>)
          tpu.yield
        }) : () -> ()
      }
      %scan3A_65 = arith.constant 20 : i32
    } else {
    }
    %eq3A_13 = arith.constant 1 : i32
    %eq3A_14 = arith.cmpi eq, %arg0, %eq3A_13 : i32
    %convert_element_type3A_15 = arith.extui %eq3A_14 : i1 to i32
    %cond3A_16 = arith.constant 0 : i32
    %cond3A_17 = arith.cmpi ne, %convert_element_type3A_15, %cond3A_16 : i32
    scf.if %cond3A_17 {
      %mul3A_24 = arith.constant 40 : i32
      %mul3A_25 = arith.muli %arg1, %mul3A_24 : i32
      %add3A = arith.constant 1920 : i32
      %add3A_26 = arith.addi %add3A, %mul3A_25 : i32
      %add3A_27 = arith.constant 0 : i32
      %add3A_28 = arith.addi %add3A_26, %add3A_27 : i32
      "tpu.region"() ({
        %run_scoped3A = tpu.sem_alloc : memref<!tpu.dma_semaphore, #tpu.memory_space<semaphore_mem>>
        %dma_start3A_40 = arith.constant 0 : i32
        %dma_start3A_41 = tpu.memref_slice %arg3[%add3A_28, %dma_start3A_40] : memref<2560x128xi32, #tpu.memory_space<hbm>> -> memref<40x128xi32, #tpu.memory_space<hbm>>
        %dma_start3A_42 = arith.constant 0 : i32
        %dma_start3A_43 = tpu.memref_slice %arg3[%add3A_28, %dma_start3A_42] : memref<2560x128xi32, #tpu.memory_space<hbm>> -> memref<40x128xi32, #tpu.memory_space<hbm>>
        tpu.enqueue_dma source(%dma_start3A_43 : memref<40x128xi32, #tpu.memory_space<hbm>>) target(%arg7 : memref<40x128xi32, #tpu.memory_space<vmem>>) target_semaphore(%run_scoped3A : memref<!tpu.dma_semaphore, #tpu.memory_space<semaphore_mem>>)
        %dma_wait3A = arith.constant 0 : i32
        %dma_wait3A_44 = tpu.memref_slice %arg3[%add3A_28, %dma_wait3A] : memref<2560x128xi32, #tpu.memory_space<hbm>> -> memref<40x128xi32, #tpu.memory_space<hbm>>
        %dma_wait3A_45 = arith.constant 0 : i32
        %dma_wait3A_46 = tpu.memref_slice %arg3[%add3A_28, %dma_wait3A_45] : memref<2560x128xi32, #tpu.memory_space<hbm>> -> memref<40x128xi32, #tpu.memory_space<hbm>>
        tpu.wait_dma2 semaphore(%run_scoped3A : memref<!tpu.dma_semaphore, #tpu.memory_space<semaphore_mem>>) src(%dma_wait3A_46 : memref<40x128xi32, #tpu.memory_space<hbm>>) dst(%arg7 : memref<40x128xi32, #tpu.memory_space<vmem>>)
        tpu.yield
      }) : () -> ()
      "tpu.region"() ({
        %run_scoped3A = tpu.sem_alloc : memref<!tpu.dma_semaphore, #tpu.memory_space<semaphore_mem>>
        %dma_start3A_40 = arith.constant 0 : i32
        %dma_start3A_41 = tpu.memref_slice %arg4[%add3A_28, %dma_start3A_40] : memref<2560x128xi32, #tpu.memory_space<hbm>> -> memref<40x128xi32, #tpu.memory_space<hbm>>
        %dma_start3A_42 = arith.constant 0 : i32
        %dma_start3A_43 = tpu.memref_slice %arg4[%add3A_28, %dma_start3A_42] : memref<2560x128xi32, #tpu.memory_space<hbm>> -> memref<40x128xi32, #tpu.memory_space<hbm>>
        tpu.enqueue_dma source(%dma_start3A_43 : memref<40x128xi32, #tpu.memory_space<hbm>>) target(%arg8 : memref<40x128xi32, #tpu.memory_space<vmem>>) target_semaphore(%run_scoped3A : memref<!tpu.dma_semaphore, #tpu.memory_space<semaphore_mem>>)
        %dma_wait3A = arith.constant 0 : i32
        %dma_wait3A_44 = tpu.memref_slice %arg4[%add3A_28, %dma_wait3A] : memref<2560x128xi32, #tpu.memory_space<hbm>> -> memref<40x128xi32, #tpu.memory_space<hbm>>
        %dma_wait3A_45 = arith.constant 0 : i32
        %dma_wait3A_46 = tpu.memref_slice %arg4[%add3A_28, %dma_wait3A_45] : memref<2560x128xi32, #tpu.memory_space<hbm>> -> memref<40x128xi32, #tpu.memory_space<hbm>>
        tpu.wait_dma2 semaphore(%run_scoped3A : memref<!tpu.dma_semaphore, #tpu.memory_space<semaphore_mem>>) src(%dma_wait3A_46 : memref<40x128xi32, #tpu.memory_space<hbm>>) dst(%arg8 : memref<40x128xi32, #tpu.memory_space<vmem>>)
        tpu.yield
      }) : () -> ()
      "tpu.region"() ({
        %run_scoped3A = tpu.sem_alloc : memref<!tpu.dma_semaphore, #tpu.memory_space<semaphore_mem>>
        %dma_start3A_40 = arith.constant 0 : i32
        %dma_start3A_41 = tpu.memref_slice %arg5[%add3A_28, %dma_start3A_40] : memref<2560x128xf32, #tpu.memory_space<hbm>> -> memref<40x128xf32, #tpu.memory_space<hbm>>
        %dma_start3A_42 = arith.constant 0 : i32
        %dma_start3A_43 = tpu.memref_slice %arg5[%add3A_28, %dma_start3A_42] : memref<2560x128xf32, #tpu.memory_space<hbm>> -> memref<40x128xf32, #tpu.memory_space<hbm>>
        tpu.enqueue_dma source(%dma_start3A_43 : memref<40x128xf32, #tpu.memory_space<hbm>>) target(%arg9 : memref<40x128xf32, #tpu.memory_space<vmem>>) target_semaphore(%run_scoped3A : memref<!tpu.dma_semaphore, #tpu.memory_space<semaphore_mem>>)
        %dma_wait3A = arith.constant 0 : i32
        %dma_wait3A_44 = tpu.memref_slice %arg5[%add3A_28, %dma_wait3A] : memref<2560x128xf32, #tpu.memory_space<hbm>> -> memref<40x128xf32, #tpu.memory_space<hbm>>
        %dma_wait3A_45 = arith.constant 0 : i32
        %dma_wait3A_46 = tpu.memref_slice %arg5[%add3A_28, %dma_wait3A_45] : memref<2560x128xf32, #tpu.memory_space<hbm>> -> memref<40x128xf32, #tpu.memory_space<hbm>>
        tpu.wait_dma2 semaphore(%run_scoped3A : memref<!tpu.dma_semaphore, #tpu.memory_space<semaphore_mem>>) src(%dma_wait3A_46 : memref<40x128xf32, #tpu.memory_space<hbm>>) dst(%arg9 : memref<40x128xf32, #tpu.memory_space<vmem>>)
        tpu.yield
      }) : () -> ()
      %dma_start3A = arith.constant 0 : i32
      %dma_start3A_29 = arith.constant 0 : i32
      %dma_start3A_30 = tpu.memref_slice %arg7[%dma_start3A, %dma_start3A_29] : memref<40x128xi32, #tpu.memory_space<vmem>> -> memref<1x128xi32, #tpu.memory_space<vmem>>
      %dma_start3A_31 = tpu.memref_squeeze %dma_start3A_30 : memref<1x128xi32, #tpu.memory_space<vmem>> -> memref<128xi32, #tpu.memory_space<vmem>>
      %dma_start3A_32 = arith.constant 0 : i32
      %dma_start3A_33 = arith.constant 0 : i32
      %dma_start3A_34 = tpu.memref_slice %arg2[%dma_start3A_32, %dma_start3A_33] : memref<10000x128xf32, #tpu.memory_space<hbm>> -> memref<10000x128xf32, #tpu.memory_space<hbm>>
      tpu.enqueue_indirect_dma source(%dma_start3A_34 : memref<10000x128xf32, #tpu.memory_space<hbm>>) target(%arg10 : memref<128x128xf32, #tpu.memory_space<vmem>>) offsets(%dma_start3A_31 : memref<128xi32, #tpu.memory_space<vmem>>) semaphore(%arg13 : memref<!tpu.dma_semaphore, #tpu.memory_space<semaphore_mem>>)
      %scan3A_35 = arith.constant 0 : i32
      %scan3A_36 = arith.constant 20 : i32
      %scan3A_37 = arith.addi %scan3A_35, %scan3A_36 : i32
      %scan3A_38 = arith.constant 1 : i32
      scf.for %scan3A_40 = %scan3A_35 to %scan3A_37 step %scan3A_38  : i32 {
        %mul3A_41 = arith.constant 1 : i32
        %mul3A_42 = arith.muli %scan3A_40, %mul3A_41 : i32
        %add3A_43 = arith.constant 0 : i32
        %add3A_44 = arith.addi %add3A_43, %mul3A_42 : i32
        %mul3A_45 = arith.constant 2 : i32
        %mul3A_46 = arith.muli %mul3A_45, %add3A_44 : i32
        %add3A_47 = arith.constant 1 : i32
        %add3A_48 = arith.addi %mul3A_46, %add3A_47 : i32
        %dma_start3A_49 = arith.constant 0 : i32
        %dma_start3A_50 = tpu.memref_slice %arg7[%add3A_48, %dma_start3A_49] : memref<40x128xi32, #tpu.memory_space<vmem>> -> memref<1x128xi32, #tpu.memory_space<vmem>>
        %dma_start3A_51 = tpu.memref_squeeze %dma_start3A_50 : memref<1x128xi32, #tpu.memory_space<vmem>> -> memref<128xi32, #tpu.memory_space<vmem>>
        %dma_start3A_52 = arith.constant 0 : i32
        %dma_start3A_53 = arith.constant 0 : i32
        %dma_start3A_54 = tpu.memref_slice %arg2[%dma_start3A_52, %dma_start3A_53] : memref<10000x128xf32, #tpu.memory_space<hbm>> -> memref<10000x128xf32, #tpu.memory_space<hbm>>
        tpu.enqueue_indirect_dma source(%dma_start3A_54 : memref<10000x128xf32, #tpu.memory_space<hbm>>) target(%arg11 : memref<128x128xf32, #tpu.memory_space<vmem>>) offsets(%dma_start3A_51 : memref<128xi32, #tpu.memory_space<vmem>>) semaphore(%arg14 : memref<!tpu.dma_semaphore, #tpu.memory_space<semaphore_mem>>)
        %dma_wait3A = arith.constant 0 : i32
        %dma_wait3A_55 = arith.constant 0 : i32
        %dma_wait3A_56 = tpu.memref_slice %arg2[%dma_wait3A, %dma_wait3A_55] : memref<10000x128xf32, #tpu.memory_space<hbm>> -> memref<128x128xf32, #tpu.memory_space<hbm>>
        %dma_wait3A_57 = arith.constant 0 : i32
        %dma_wait3A_58 = arith.constant 0 : i32
        %dma_wait3A_59 = tpu.memref_slice %arg2[%dma_wait3A_57, %dma_wait3A_58] : memref<10000x128xf32, #tpu.memory_space<hbm>> -> memref<128x128xf32, #tpu.memory_space<hbm>>
        tpu.wait_dma2 semaphore(%arg13 : memref<!tpu.dma_semaphore, #tpu.memory_space<semaphore_mem>>) src(%dma_wait3A_59 : memref<128x128xf32, #tpu.memory_space<hbm>>) dst(%arg10 : memref<128x128xf32, #tpu.memory_space<vmem>>)
        %scan3A_60 = arith.constant 0 : i32
        %scan3A_61 = arith.constant 128 : i32
        %scan3A_62 = arith.addi %scan3A_60, %scan3A_61 : i32
        %scan3A_63 = arith.constant 1 : i32
        scf.for %scan3A_84 = %scan3A_60 to %scan3A_62 step %scan3A_63  : i32 {
          %mul3A_85 = arith.constant 1 : i32
          %mul3A_86 = arith.muli %scan3A_84, %mul3A_85 : i32
          %add3A_87 = arith.constant 0 : i32
          %add3A_88 = arith.addi %add3A_87, %mul3A_86 : i32
          %broadcast_in_dim3A_89 = arith.constant 0 : i32
          %broadcast_in_dim3A_90 = vector.broadcast %broadcast_in_dim3A_89 : i32 to vector<16xi32>
          %add3A_91 = vector.broadcast %add3A_88 : i32 to vector<16xi32>
          %add3A_92 = arith.addi %broadcast_in_dim3A_90, %add3A_91 : vector<16xi32>
          %broadcast_in_dim3A_93 = arith.constant 0 : i32
          %broadcast_in_dim3A_94 = vector.broadcast %broadcast_in_dim3A_93 : i32 to vector<16xi32>
          %add3A_95 = vector.broadcast %mul3A_46 : i32 to vector<16xi32>
          %add3A_96 = arith.addi %broadcast_in_dim3A_94, %add3A_95 : vector<16xi32>
          %gather3A = tpu.vector_load_idx %arg9[%add3A_96, %add3A_92] : memref<40x128xf32, #tpu.memory_space<vmem>>[vector<16xi32>, vector<16xi32>], vector<16xf32>,
          %get3A = arith.index_cast %add3A_88 : i32 to index
          %get3A_97 = arith.constant 0 : index
          %get3A_98 = tpu.vector_load %arg10[%get3A, %get3A_97] {strides = array<i32>} : memref<128x128xf32, #tpu.memory_space<vmem>>, vector<16xf32>,
          %mul3A_99 = arith.mulf %get3A_98, %gather3A : vector<16xf32>
          %swap3A = arith.index_cast %add3A_88 : i32 to index
          %swap3A_100 = arith.constant 0 : index
          %swap3A_101 = tpu.vector_load %arg10[%swap3A, %swap3A_100] {strides = array<i32>} : memref<128x128xf32, #tpu.memory_space<vmem>>, vector<16xf32>,
          tpu.vector_store %arg10[%swap3A, %swap3A_100], %mul3A_99 {strides = array<i32>} : memref<128x128xf32, #tpu.memory_space<vmem>>, vector<16xf32>,
          %get3A_102 = arith.index_cast %add3A_88 : i32 to index
          %get3A_103 = arith.constant 16 : index
          %get3A_104 = tpu.vector_load %arg10[%get3A_102, %get3A_103] {strides = array<i32>} : memref<128x128xf32, #tpu.memory_space<vmem>>, vector<16xf32>,
          %mul3A_105 = arith.mulf %get3A_104, %gather3A : vector<16xf32>
          %swap3A_106 = arith.index_cast %add3A_88 : i32 to index
          %swap3A_107 = arith.constant 16 : index
          %swap3A_108 = tpu.vector_load %arg10[%swap3A_106, %swap3A_107] {strides = array<i32>} : memref<128x128xf32, #tpu.memory_space<vmem>>, vector<16xf32>,
          tpu.vector_store %arg10[%swap3A_106, %swap3A_107], %mul3A_105 {strides = array<i32>} : memref<128x128xf32, #tpu.memory_space<vmem>>, vector<16xf32>,
          %get3A_109 = arith.index_cast %add3A_88 : i32 to index
          %get3A_110 = arith.constant 32 : index
          %get3A_111 = tpu.vector_load %arg10[%get3A_109, %get3A_110] {strides = array<i32>} : memref<128x128xf32, #tpu.memory_space<vmem>>, vector<16xf32>,
          %mul3A_112 = arith.mulf %get3A_111, %gather3A : vector<16xf32>
          %swap3A_113 = arith.index_cast %add3A_88 : i32 to index
          %swap3A_114 = arith.constant 32 : index
          %swap3A_115 = tpu.vector_load %arg10[%swap3A_113, %swap3A_114] {strides = array<i32>} : memref<128x128xf32, #tpu.memory_space<vmem>>, vector<16xf32>,
          tpu.vector_store %arg10[%swap3A_113, %swap3A_114], %mul3A_112 {strides = array<i32>} : memref<128x128xf32, #tpu.memory_space<vmem>>, vector<16xf32>,
          %get3A_116 = arith.index_cast %add3A_88 : i32 to index
          %get3A_117 = arith.constant 48 : index
          %get3A_118 = tpu.vector_load %arg10[%get3A_116, %get3A_117] {strides = array<i32>} : memref<128x128xf32, #tpu.memory_space<vmem>>, vector<16xf32>,
          %mul3A_119 = arith.mulf %get3A_118, %gather3A : vector<16xf32>
          %swap3A_120 = arith.index_cast %add3A_88 : i32 to index
          %swap3A_121 = arith.constant 48 : index
          %swap3A_122 = tpu.vector_load %arg10[%swap3A_120, %swap3A_121] {strides = array<i32>} : memref<128x128xf32, #tpu.memory_space<vmem>>, vector<16xf32>,
          tpu.vector_store %arg10[%swap3A_120, %swap3A_121], %mul3A_119 {strides = array<i32>} : memref<128x128xf32, #tpu.memory_space<vmem>>, vector<16xf32>,
          %get3A_123 = arith.index_cast %add3A_88 : i32 to index
          %get3A_124 = arith.constant 64 : index
          %get3A_125 = tpu.vector_load %arg10[%get3A_123, %get3A_124] {strides = array<i32>} : memref<128x128xf32, #tpu.memory_space<vmem>>, vector<16xf32>,
          %mul3A_126 = arith.mulf %get3A_125, %gather3A : vector<16xf32>
          %swap3A_127 = arith.index_cast %add3A_88 : i32 to index
          %swap3A_128 = arith.constant 64 : index
          %swap3A_129 = tpu.vector_load %arg10[%swap3A_127, %swap3A_128] {strides = array<i32>} : memref<128x128xf32, #tpu.memory_space<vmem>>, vector<16xf32>,
          tpu.vector_store %arg10[%swap3A_127, %swap3A_128], %mul3A_126 {strides = array<i32>} : memref<128x128xf32, #tpu.memory_space<vmem>>, vector<16xf32>,
          %get3A_130 = arith.index_cast %add3A_88 : i32 to index
          %get3A_131 = arith.constant 80 : index
          %get3A_132 = tpu.vector_load %arg10[%get3A_130, %get3A_131] {strides = array<i32>} : memref<128x128xf32, #tpu.memory_space<vmem>>, vector<16xf32>,
          %mul3A_133 = arith.mulf %get3A_132, %gather3A : vector<16xf32>
          %swap3A_134 = arith.index_cast %add3A_88 : i32 to index
          %swap3A_135 = arith.constant 80 : index
          %swap3A_136 = tpu.vector_load %arg10[%swap3A_134, %swap3A_135] {strides = array<i32>} : memref<128x128xf32, #tpu.memory_space<vmem>>, vector<16xf32>,
          tpu.vector_store %arg10[%swap3A_134, %swap3A_135], %mul3A_133 {strides = array<i32>} : memref<128x128xf32, #tpu.memory_space<vmem>>, vector<16xf32>,
          %get3A_137 = arith.index_cast %add3A_88 : i32 to index
          %get3A_138 = arith.constant 96 : index
          %get3A_139 = tpu.vector_load %arg10[%get3A_137, %get3A_138] {strides = array<i32>} : memref<128x128xf32, #tpu.memory_space<vmem>>, vector<16xf32>,
          %mul3A_140 = arith.mulf %get3A_139, %gather3A : vector<16xf32>
          %swap3A_141 = arith.index_cast %add3A_88 : i32 to index
          %swap3A_142 = arith.constant 96 : index
          %swap3A_143 = tpu.vector_load %arg10[%swap3A_141, %swap3A_142] {strides = array<i32>} : memref<128x128xf32, #tpu.memory_space<vmem>>, vector<16xf32>,
          tpu.vector_store %arg10[%swap3A_141, %swap3A_142], %mul3A_140 {strides = array<i32>} : memref<128x128xf32, #tpu.memory_space<vmem>>, vector<16xf32>,
          %get3A_144 = arith.index_cast %add3A_88 : i32 to index
          %get3A_145 = arith.constant 112 : index
          %get3A_146 = tpu.vector_load %arg10[%get3A_144, %get3A_145] {strides = array<i32>} : memref<128x128xf32, #tpu.memory_space<vmem>>, vector<16xf32>,
          %mul3A_147 = arith.mulf %get3A_146, %gather3A : vector<16xf32>
          %swap3A_148 = arith.index_cast %add3A_88 : i32 to index
          %swap3A_149 = arith.constant 112 : index
          %swap3A_150 = tpu.vector_load %arg10[%swap3A_148, %swap3A_149] {strides = array<i32>} : memref<128x128xf32, #tpu.memory_space<vmem>>, vector<16xf32>,
          tpu.vector_store %arg10[%swap3A_148, %swap3A_149], %mul3A_147 {strides = array<i32>} : memref<128x128xf32, #tpu.memory_space<vmem>>, vector<16xf32>,
        }
        %scan3A_64 = arith.constant 128 : i32
        "tpu.region"() ({
          %run_scoped3A = tpu.sem_alloc : memref<!tpu.dma_semaphore, #tpu.memory_space<semaphore_mem>>
          %dma_start3A_84 = arith.constant 0 : i32
          %dma_start3A_85 = tpu.memref_slice %arg8[%mul3A_46, %dma_start3A_84] : memref<40x128xi32, #tpu.memory_space<vmem>> -> memref<1x128xi32, #tpu.memory_space<vmem>>
          %dma_start3A_86 = tpu.memref_squeeze %dma_start3A_85 : memref<1x128xi32, #tpu.memory_space<vmem>> -> memref<128xi32, #tpu.memory_space<vmem>>
          %dma_start3A_87 = arith.constant 0 : i32
          %dma_start3A_88 = arith.constant 0 : i32
          %dma_start3A_89 = tpu.memref_slice %arg12[%dma_start3A_87, %dma_start3A_88] : memref<10240x128xf32, #tpu.memory_space<vmem_shared>> -> memref<10240x128xf32, #tpu.memory_space<vmem_shared>>
          tpu.enqueue_indirect_dma source(%arg10 : memref<128x128xf32, #tpu.memory_space<vmem>>) target(%dma_start3A_89 : memref<10240x128xf32, #tpu.memory_space<vmem_shared>>) offsets(%dma_start3A_86 : memref<128xi32, #tpu.memory_space<vmem>>) semaphore(%run_scoped3A : memref<!tpu.dma_semaphore, #tpu.memory_space<semaphore_mem>>) {add = true}
          %dma_wait3A_90 = arith.constant 0 : i32
          %dma_wait3A_91 = tpu.memref_slice %arg8[%mul3A_46, %dma_wait3A_90] : memref<40x128xi32, #tpu.memory_space<vmem>> -> memref<1x128xi32, #tpu.memory_space<vmem>>
          %dma_wait3A_92 = tpu.memref_squeeze %dma_wait3A_91 : memref<1x128xi32, #tpu.memory_space<vmem>> -> memref<128xi32, #tpu.memory_space<vmem>>
          %dma_wait3A_93 = arith.constant 0 : i32
          %dma_wait3A_94 = arith.constant 0 : i32
          %dma_wait3A_95 = tpu.memref_slice %arg12[%dma_wait3A_93, %dma_wait3A_94] : memref<10240x128xf32, #tpu.memory_space<vmem_shared>> -> memref<10240x128xf32, #tpu.memory_space<vmem_shared>>
          tpu.wait_indirect_dma semaphore(%run_scoped3A : memref<!tpu.dma_semaphore, #tpu.memory_space<semaphore_mem>>) src(%arg10 : memref<128x128xf32, #tpu.memory_space<vmem>>) dst(%dma_wait3A_95 : memref<10240x128xf32, #tpu.memory_space<vmem_shared>>)
          tpu.yield
        }) : () -> ()
        %lt3A = arith.constant 19 : i32
        %lt3A_65 = arith.cmpi slt, %add3A_44, %lt3A : i32
        %convert_element_type3A_66 = arith.extui %lt3A_65 : i1 to i32
        %cond3A_67 = arith.constant 0 : i32
        %cond3A_68 = arith.cmpi ne, %convert_element_type3A_66, %cond3A_67 : i32
        scf.if %cond3A_68 {
          %add3A_84 = arith.constant 2 : i32
          %add3A_85 = arith.addi %mul3A_46, %add3A_84 : i32
          %dma_start3A_86 = arith.constant 0 : i32
          %dma_start3A_87 = tpu.memref_slice %arg7[%add3A_85, %dma_start3A_86] : memref<40x128xi32, #tpu.memory_space<vmem>> -> memref<1x128xi32, #tpu.memory_space<vmem>>
          %dma_start3A_88 = tpu.memref_squeeze %dma_start3A_87 : memref<1x128xi32, #tpu.memory_space<vmem>> -> memref<128xi32, #tpu.memory_space<vmem>>
          %dma_start3A_89 = arith.constant 0 : i32
          %dma_start3A_90 = arith.constant 0 : i32
          %dma_start3A_91 = tpu.memref_slice %arg2[%dma_start3A_89, %dma_start3A_90] : memref<10000x128xf32, #tpu.memory_space<hbm>> -> memref<10000x128xf32, #tpu.memory_space<hbm>>
          tpu.enqueue_indirect_dma source(%dma_start3A_91 : memref<10000x128xf32, #tpu.memory_space<hbm>>) target(%arg10 : memref<128x128xf32, #tpu.memory_space<vmem>>) offsets(%dma_start3A_88 : memref<128xi32, #tpu.memory_space<vmem>>) semaphore(%arg13 : memref<!tpu.dma_semaphore, #tpu.memory_space<semaphore_mem>>)
        } else {
        }
        %dma_wait3A_69 = arith.constant 0 : i32
        %dma_wait3A_70 = arith.constant 0 : i32
        %dma_wait3A_71 = tpu.memref_slice %arg2[%dma_wait3A_69, %dma_wait3A_70] : memref<10000x128xf32, #tpu.memory_space<hbm>> -> memref<128x128xf32, #tpu.memory_space<hbm>>
        %dma_wait3A_72 = arith.constant 0 : i32
        %dma_wait3A_73 = arith.constant 0 : i32
        %dma_wait3A_74 = tpu.memref_slice %arg2[%dma_wait3A_72, %dma_wait3A_73] : memref<10000x128xf32, #tpu.memory_space<hbm>> -> memref<128x128xf32, #tpu.memory_space<hbm>>
        tpu.wait_dma2 semaphore(%arg14 : memref<!tpu.dma_semaphore, #tpu.memory_space<semaphore_mem>>) src(%dma_wait3A_74 : memref<128x128xf32, #tpu.memory_space<hbm>>) dst(%arg11 : memref<128x128xf32, #tpu.memory_space<vmem>>)
        %add3A_75 = arith.constant 1 : i32
        %add3A_76 = arith.addi %mul3A_46, %add3A_75 : i32
        %add3A_77 = arith.constant 1 : i32
        %add3A_78 = arith.addi %mul3A_46, %add3A_77 : i32
        %scan3A_79 = arith.constant 0 : i32
        %scan3A_80 = arith.constant 128 : i32
        %scan3A_81 = arith.addi %scan3A_79, %scan3A_80 : i32
        %scan3A_82 = arith.constant 1 : i32
        scf.for %scan3A_84 = %scan3A_79 to %scan3A_81 step %scan3A_82  : i32 {
          %mul3A_85 = arith.constant 1 : i32
          %mul3A_86 = arith.muli %scan3A_84, %mul3A_85 : i32
          %add3A_87 = arith.constant 0 : i32
          %add3A_88 = arith.addi %add3A_87, %mul3A_86 : i32
          %broadcast_in_dim3A_89 = arith.constant 0 : i32
          %broadcast_in_dim3A_90 = vector.broadcast %broadcast_in_dim3A_89 : i32 to vector<16xi32>
          %add3A_91 = vector.broadcast %add3A_88 : i32 to vector<16xi32>
          %add3A_92 = arith.addi %broadcast_in_dim3A_90, %add3A_91 : vector<16xi32>
          %broadcast_in_dim3A_93 = arith.constant 0 : i32
          %broadcast_in_dim3A_94 = vector.broadcast %broadcast_in_dim3A_93 : i32 to vector<16xi32>
          %add3A_95 = vector.broadcast %add3A_78 : i32 to vector<16xi32>
          %add3A_96 = arith.addi %broadcast_in_dim3A_94, %add3A_95 : vector<16xi32>
          %gather3A = tpu.vector_load_idx %arg9[%add3A_96, %add3A_92] : memref<40x128xf32, #tpu.memory_space<vmem>>[vector<16xi32>, vector<16xi32>], vector<16xf32>,
          %get3A = arith.index_cast %add3A_88 : i32 to index
          %get3A_97 = arith.constant 0 : index
          %get3A_98 = tpu.vector_load %arg11[%get3A, %get3A_97] {strides = array<i32>} : memref<128x128xf32, #tpu.memory_space<vmem>>, vector<16xf32>,
          %mul3A_99 = arith.mulf %get3A_98, %gather3A : vector<16xf32>
          %swap3A = arith.index_cast %add3A_88 : i32 to index
          %swap3A_100 = arith.constant 0 : index
          %swap3A_101 = tpu.vector_load %arg11[%swap3A, %swap3A_100] {strides = array<i32>} : memref<128x128xf32, #tpu.memory_space<vmem>>, vector<16xf32>,
          tpu.vector_store %arg11[%swap3A, %swap3A_100], %mul3A_99 {strides = array<i32>} : memref<128x128xf32, #tpu.memory_space<vmem>>, vector<16xf32>,
          %get3A_102 = arith.index_cast %add3A_88 : i32 to index
          %get3A_103 = arith.constant 16 : index
          %get3A_104 = tpu.vector_load %arg11[%get3A_102, %get3A_103] {strides = array<i32>} : memref<128x128xf32, #tpu.memory_space<vmem>>, vector<16xf32>,
          %mul3A_105 = arith.mulf %get3A_104, %gather3A : vector<16xf32>
          %swap3A_106 = arith.index_cast %add3A_88 : i32 to index
          %swap3A_107 = arith.constant 16 : index
          %swap3A_108 = tpu.vector_load %arg11[%swap3A_106, %swap3A_107] {strides = array<i32>} : memref<128x128xf32, #tpu.memory_space<vmem>>, vector<16xf32>,
          tpu.vector_store %arg11[%swap3A_106, %swap3A_107], %mul3A_105 {strides = array<i32>} : memref<128x128xf32, #tpu.memory_space<vmem>>, vector<16xf32>,
          %get3A_109 = arith.index_cast %add3A_88 : i32 to index
          %get3A_110 = arith.constant 32 : index
          %get3A_111 = tpu.vector_load %arg11[%get3A_109, %get3A_110] {strides = array<i32>} : memref<128x128xf32, #tpu.memory_space<vmem>>, vector<16xf32>,
          %mul3A_112 = arith.mulf %get3A_111, %gather3A : vector<16xf32>
          %swap3A_113 = arith.index_cast %add3A_88 : i32 to index
          %swap3A_114 = arith.constant 32 : index
          %swap3A_115 = tpu.vector_load %arg11[%swap3A_113, %swap3A_114] {strides = array<i32>} : memref<128x128xf32, #tpu.memory_space<vmem>>, vector<16xf32>,
          tpu.vector_store %arg11[%swap3A_113, %swap3A_114], %mul3A_112 {strides = array<i32>} : memref<128x128xf32, #tpu.memory_space<vmem>>, vector<16xf32>,
          %get3A_116 = arith.index_cast %add3A_88 : i32 to index
          %get3A_117 = arith.constant 48 : index
          %get3A_118 = tpu.vector_load %arg11[%get3A_116, %get3A_117] {strides = array<i32>} : memref<128x128xf32, #tpu.memory_space<vmem>>, vector<16xf32>,
          %mul3A_119 = arith.mulf %get3A_118, %gather3A : vector<16xf32>
          %swap3A_120 = arith.index_cast %add3A_88 : i32 to index
          %swap3A_121 = arith.constant 48 : index
          %swap3A_122 = tpu.vector_load %arg11[%swap3A_120, %swap3A_121] {strides = array<i32>} : memref<128x128xf32, #tpu.memory_space<vmem>>, vector<16xf32>,
          tpu.vector_store %arg11[%swap3A_120, %swap3A_121], %mul3A_119 {strides = array<i32>} : memref<128x128xf32, #tpu.memory_space<vmem>>, vector<16xf32>,
          %get3A_123 = arith.index_cast %add3A_88 : i32 to index
          %get3A_124 = arith.constant 64 : index
          %get3A_125 = tpu.vector_load %arg11[%get3A_123, %get3A_124] {strides = array<i32>} : memref<128x128xf32, #tpu.memory_space<vmem>>, vector<16xf32>,
          %mul3A_126 = arith.mulf %get3A_125, %gather3A : vector<16xf32>
          %swap3A_127 = arith.index_cast %add3A_88 : i32 to index
          %swap3A_128 = arith.constant 64 : index
          %swap3A_129 = tpu.vector_load %arg11[%swap3A_127, %swap3A_128] {strides = array<i32>} : memref<128x128xf32, #tpu.memory_space<vmem>>, vector<16xf32>,
          tpu.vector_store %arg11[%swap3A_127, %swap3A_128], %mul3A_126 {strides = array<i32>} : memref<128x128xf32, #tpu.memory_space<vmem>>, vector<16xf32>,
          %get3A_130 = arith.index_cast %add3A_88 : i32 to index
          %get3A_131 = arith.constant 80 : index
          %get3A_132 = tpu.vector_load %arg11[%get3A_130, %get3A_131] {strides = array<i32>} : memref<128x128xf32, #tpu.memory_space<vmem>>, vector<16xf32>,
          %mul3A_133 = arith.mulf %get3A_132, %gather3A : vector<16xf32>
          %swap3A_134 = arith.index_cast %add3A_88 : i32 to index
          %swap3A_135 = arith.constant 80 : index
          %swap3A_136 = tpu.vector_load %arg11[%swap3A_134, %swap3A_135] {strides = array<i32>} : memref<128x128xf32, #tpu.memory_space<vmem>>, vector<16xf32>,
          tpu.vector_store %arg11[%swap3A_134, %swap3A_135], %mul3A_133 {strides = array<i32>} : memref<128x128xf32, #tpu.memory_space<vmem>>, vector<16xf32>,
          %get3A_137 = arith.index_cast %add3A_88 : i32 to index
          %get3A_138 = arith.constant 96 : index
          %get3A_139 = tpu.vector_load %arg11[%get3A_137, %get3A_138] {strides = array<i32>} : memref<128x128xf32, #tpu.memory_space<vmem>>, vector<16xf32>,
          %mul3A_140 = arith.mulf %get3A_139, %gather3A : vector<16xf32>
          %swap3A_141 = arith.index_cast %add3A_88 : i32 to index
          %swap3A_142 = arith.constant 96 : index
          %swap3A_143 = tpu.vector_load %arg11[%swap3A_141, %swap3A_142] {strides = array<i32>} : memref<128x128xf32, #tpu.memory_space<vmem>>, vector<16xf32>,
          tpu.vector_store %arg11[%swap3A_141, %swap3A_142], %mul3A_140 {strides = array<i32>} : memref<128x128xf32, #tpu.memory_space<vmem>>, vector<16xf32>,
          %get3A_144 = arith.index_cast %add3A_88 : i32 to index
          %get3A_145 = arith.constant 112 : index
          %get3A_146 = tpu.vector_load %arg11[%get3A_144, %get3A_145] {strides = array<i32>} : memref<128x128xf32, #tpu.memory_space<vmem>>, vector<16xf32>,
          %mul3A_147 = arith.mulf %get3A_146, %gather3A : vector<16xf32>
          %swap3A_148 = arith.index_cast %add3A_88 : i32 to index
          %swap3A_149 = arith.constant 112 : index
          %swap3A_150 = tpu.vector_load %arg11[%swap3A_148, %swap3A_149] {strides = array<i32>} : memref<128x128xf32, #tpu.memory_space<vmem>>, vector<16xf32>,
          tpu.vector_store %arg11[%swap3A_148, %swap3A_149], %mul3A_147 {strides = array<i32>} : memref<128x128xf32, #tpu.memory_space<vmem>>, vector<16xf32>,
        }
        %scan3A_83 = arith.constant 128 : i32
        "tpu.region"() ({
          %run_scoped3A = tpu.sem_alloc : memref<!tpu.dma_semaphore, #tpu.memory_space<semaphore_mem>>
          %dma_start3A_84 = arith.constant 0 : i32
          %dma_start3A_85 = tpu.memref_slice %arg8[%add3A_76, %dma_start3A_84] : memref<40x128xi32, #tpu.memory_space<vmem>> -> memref<1x128xi32, #tpu.memory_space<vmem>>
          %dma_start3A_86 = tpu.memref_squeeze %dma_start3A_85 : memref<1x128xi32, #tpu.memory_space<vmem>> -> memref<128xi32, #tpu.memory_space<vmem>>
          %dma_start3A_87 = arith.constant 0 : i32
          %dma_start3A_88 = arith.constant 0 : i32
          %dma_start3A_89 = tpu.memref_slice %arg12[%dma_start3A_87, %dma_start3A_88] : memref<10240x128xf32, #tpu.memory_space<vmem_shared>> -> memref<10240x128xf32, #tpu.memory_space<vmem_shared>>
          tpu.enqueue_indirect_dma source(%arg11 : memref<128x128xf32, #tpu.memory_space<vmem>>) target(%dma_start3A_89 : memref<10240x128xf32, #tpu.memory_space<vmem_shared>>) offsets(%dma_start3A_86 : memref<128xi32, #tpu.memory_space<vmem>>) semaphore(%run_scoped3A : memref<!tpu.dma_semaphore, #tpu.memory_space<semaphore_mem>>) {add = true}
          %dma_wait3A_90 = arith.constant 0 : i32
          %dma_wait3A_91 = tpu.memref_slice %arg8[%add3A_76, %dma_wait3A_90] : memref<40x128xi32, #tpu.memory_space<vmem>> -> memref<1x128xi32, #tpu.memory_space<vmem>>
          %dma_wait3A_92 = tpu.memref_squeeze %dma_wait3A_91 : memref<1x128xi32, #tpu.memory_space<vmem>> -> memref<128xi32, #tpu.memory_space<vmem>>
          %dma_wait3A_93 = arith.constant 0 : i32
          %dma_wait3A_94 = arith.constant 0 : i32
          %dma_wait3A_95 = tpu.memref_slice %arg12[%dma_wait3A_93, %dma_wait3A_94] : memref<10240x128xf32, #tpu.memory_space<vmem_shared>> -> memref<10240x128xf32, #tpu.memory_space<vmem_shared>>
          tpu.wait_indirect_dma semaphore(%run_scoped3A : memref<!tpu.dma_semaphore, #tpu.memory_space<semaphore_mem>>) src(%arg11 : memref<128x128xf32, #tpu.memory_space<vmem>>) dst(%dma_wait3A_95 : memref<10240x128xf32, #tpu.memory_space<vmem_shared>>)
          tpu.yield
        }) : () -> ()
      }
      %scan3A_39 = arith.constant 20 : i32
    } else {
    }
    %barrier3A_18 = arith.constant 0 : index
    tpu.barrier barrier_id(%barrier3A_18)
    %scan3A_19 = arith.constant 0 : i32
    %scan3A_20 = arith.constant 5 : i32
    %scan3A_21 = arith.addi %scan3A_19, %scan3A_20 : i32
    %scan3A_22 = arith.constant 1 : i32
    scf.for %scan3A_24 = %scan3A_19 to %scan3A_21 step %scan3A_22  : i32 {
      %mul3A_25 = arith.constant 1 : i32
      %mul3A_26 = arith.muli %scan3A_24, %mul3A_25 : i32
      %add3A = arith.constant 0 : i32
      %add3A_27 = arith.addi %add3A, %mul3A_26 : i32
      %mul3A_28 = arith.constant 128 : i32
      %mul3A_29 = arith.muli %add3A_27, %mul3A_28 : i32
      %add3A_30 = arith.addi %multiple_of3A, %mul3A_29 : i32
      %multiple_of3A_31 = tpu.assume_multiple %add3A_30, 8 : i32
      %mul3A_32 = arith.constant 10240 : i32
      %mul3A_33 = arith.muli %arg0, %mul3A_32 : i32
      %add3A_34 = arith.addi %mul3A_33, %multiple_of3A : i32
      %mul3A_35 = arith.constant 128 : i32
      %mul3A_36 = arith.muli %add3A_27, %mul3A_35 : i32
      %add3A_37 = arith.addi %add3A_34, %mul3A_36 : i32
      %multiple_of3A_38 = tpu.assume_multiple %add3A_37, 8 : i32
      "tpu.region"() ({
        %run_scoped3A = tpu.sem_alloc : memref<!tpu.dma_semaphore, #tpu.memory_space<semaphore_mem>>
        %dma_start3A = arith.constant 0 : i32
        %dma_start3A_39 = tpu.memref_slice %arg6[%multiple_of3A_38, %dma_start3A] : memref<20480x128xf32, #tpu.memory_space<hbm>> -> memref<128x128xf32, #tpu.memory_space<hbm>>
        %dma_start3A_40 = arith.constant 0 : i32
        %dma_start3A_41 = tpu.memref_slice %arg12[%multiple_of3A_31, %dma_start3A_40] : memref<10240x128xf32, #tpu.memory_space<vmem_shared>> -> memref<128x128xf32, #tpu.memory_space<vmem_shared>>
        tpu.enqueue_dma source(%dma_start3A_41 : memref<128x128xf32, #tpu.memory_space<vmem_shared>>) target(%dma_start3A_39 : memref<128x128xf32, #tpu.memory_space<hbm>>) target_semaphore(%run_scoped3A : memref<!tpu.dma_semaphore, #tpu.memory_space<semaphore_mem>>)
        %dma_wait3A = arith.constant 0 : i32
        %dma_wait3A_42 = tpu.memref_slice %arg6[%multiple_of3A_38, %dma_wait3A] : memref<20480x128xf32, #tpu.memory_space<hbm>> -> memref<128x128xf32, #tpu.memory_space<hbm>>
        %dma_wait3A_43 = arith.constant 0 : i32
        %dma_wait3A_44 = tpu.memref_slice %arg12[%multiple_of3A_31, %dma_wait3A_43] : memref<10240x128xf32, #tpu.memory_space<vmem_shared>> -> memref<128x128xf32, #tpu.memory_space<vmem_shared>>
        tpu.wait_dma2 semaphore(%run_scoped3A : memref<!tpu.dma_semaphore, #tpu.memory_space<semaphore_mem>>) src(%dma_wait3A_44 : memref<128x128xf32, #tpu.memory_space<vmem_shared>>) dst(%dma_wait3A_42 : memref<128x128xf32, #tpu.memory_space<hbm>>)
        tpu.yield
      }) : () -> ()
    }
    %scan3A_23 = arith.constant 5 : i32
    return
  }
}

module attributes {stable_mosaic.version = 14 : i64} {
  func.func @body(%arg0: i32, %arg1: memref<1000x128xf32, #tpu.memory_space<vmem>>, %arg2: memref<1000x128xf32, #tpu.memory_space<vmem>>, %arg3: memref<1000x128xf32, #tpu.memory_space<vmem>>, %arg4: memref<128x128xf32, #tpu.memory_space<vmem>>, %arg5: memref<128x128xf32, #tpu.memory_space<vmem>>, %arg6: memref<1x128xf32, #tpu.memory_space<vmem>>, %arg7: memref<1000x128xf32, #tpu.memory_space<vmem>>) attributes {dimension_semantics = [#tpu.dimension_semantics<arbitrary>], iteration_bounds = array<i64: 10>, scalar_prefetch = 0 : i64, scratch_operands = 0 : i64, tpu.core_type = #tpu.core_type<tc>, window_params = [{transform_indices = @transform_0, window_bounds = array<i64: 1000, 128>}, {transform_indices = @transform_1, window_bounds = array<i64: 1000, 128>}, {transform_indices = @transform_2, window_bounds = array<i64: 1000, 128>}, {pipeline_mode = #tpu.pipeline_mode<synchronous>, transform_indices = @transform_3, window_bounds = array<i64: 128, 128>}, {pipeline_mode = #tpu.pipeline_mode<synchronous>, transform_indices = @transform_4, window_bounds = array<i64: 128, 128>}, {pipeline_mode = #tpu.pipeline_mode<synchronous>, transform_indices = @transform_5, window_bounds = array<i64: 1, 128>}, {transform_indices = @transform_6, window_bounds = array<i64: 1000, 128>}]} {
    %get3A = arith.constant 0 : index
    %get3A_0 = arith.constant 0 : index
    %get3A_1 = vector.load %arg2[%get3A, %get3A_0] : memref<1000x128xf32, #tpu.memory_space<vmem>>, vector<1000x128xf32>
    %get3A_2 = arith.constant 0 : index
    %get3A_3 = arith.constant 0 : index
    %get3A_4 = vector.load %arg3[%get3A_2, %get3A_3] : memref<1000x128xf32, #tpu.memory_space<vmem>>, vector<1000x128xf32>
    %add3A = arith.addf %get3A_1, %get3A_4 : vector<1000x128xf32>
    %get3A_5 = arith.constant 0 : index
    %get3A_6 = arith.constant 0 : index
    %get3A_7 = vector.load %arg1[%get3A_5, %get3A_6] : memref<1000x128xf32, #tpu.memory_space<vmem>>, vector<1000x128xf32>
    %add3A_8 = arith.addf %add3A, %get3A_7 : vector<1000x128xf32>
    %get3A_9 = arith.constant 0 : index
    %get3A_10 = arith.constant 0 : index
    %get3A_11 = vector.load %arg4[%get3A_9, %get3A_10] : memref<128x128xf32, #tpu.memory_space<vmem>>, vector<128x128xf32>
    %dot_general3A = arith.constant dense<0.000000e+00> : vector<1000x128xf32>
    %dot_general3A_12 = tpu.matmul %add3A_8, %get3A_11, %dot_general3A {dimension_numbers = #tpu.dot_dimension_numbers<[1], [0], [0], [1], [0, 0, 1, 1], [], []>, transpose_lhs_hint = false} : vector<1000x128xf32>, vector<128x128xf32>, vector<1000x128xf32> -> vector<1000x128xf32>
    %mul3A = arith.mulf %add3A, %get3A_7 : vector<1000x128xf32>
    %get3A_13 = arith.constant 0 : index
    %get3A_14 = arith.constant 0 : index
    %get3A_15 = vector.load %arg5[%get3A_13, %get3A_14] : memref<128x128xf32, #tpu.memory_space<vmem>>, vector<128x128xf32>
    %dot_general3A_16 = arith.constant dense<0.000000e+00> : vector<1000x128xf32>
    %dot_general3A_17 = tpu.matmul %mul3A, %get3A_15, %dot_general3A_16 {dimension_numbers = #tpu.dot_dimension_numbers<[1], [0], [0], [1], [0, 0, 1, 1], [], []>, transpose_lhs_hint = false} : vector<1000x128xf32>, vector<128x128xf32>, vector<1000x128xf32> -> vector<1000x128xf32>
    %add3A_18 = arith.addf %dot_general3A_12, %dot_general3A_17 : vector<1000x128xf32>
    %get3A_19 = arith.constant 0 : index
    %get3A_20 = arith.constant 0 : index
    %get3A_21 = vector.load %arg6[%get3A_19, %get3A_20] : memref<1x128xf32, #tpu.memory_space<vmem>>, vector<1x128xf32>
    %add3A_22 = vector.broadcast %get3A_21 : vector<1x128xf32> to vector<1000x128xf32>
    %add3A_23 = arith.addf %add3A_18, %add3A_22 : vector<1000x128xf32>
    %ge3A = arith.constant 0.000000e+00 : f32
    %ge3A_24 = vector.broadcast %ge3A : f32 to vector<1000x128xf32>
    %ge3A_25 = arith.cmpf oge, %add3A_23, %ge3A_24 : vector<1000x128xf32>
    %mul3A_26 = arith.constant 0.00999999977 : f32
    %mul3A_27 = vector.broadcast %mul3A_26 : f32 to vector<1000x128xf32>
    %mul3A_28 = arith.mulf %mul3A_27, %add3A_23 : vector<1000x128xf32>
    %select_n3A = arith.select %ge3A_25, %add3A_23, %mul3A_28 : vector<1000x128xi1>, vector<1000x128xf32>
    %swap3A = arith.constant 0 : index
    %swap3A_29 = arith.constant 0 : index
    %swap3A_30 = vector.load %arg7[%swap3A, %swap3A_29] : memref<1000x128xf32, #tpu.memory_space<vmem>>, vector<1000x128xf32>
    tpu.vector_store %arg7[%swap3A, %swap3A_29], %select_n3A {strides = array<i32>} : memref<1000x128xf32, #tpu.memory_space<vmem>>, vector<1000x128xf32>,
    return
  }
  func.func @transform_0(%arg0: i32) -> (i32, i32) {
    %c0_i32 = arith.constant 0 : i32
    %c0_i32_0 = arith.constant 0 : i32
    return %arg0, %c0_i32 : i32, i32
  }
  func.func @transform_1(%arg0: i32) -> (i32, i32) {
    %c0_i32 = arith.constant 0 : i32
    %c0_i32_0 = arith.constant 0 : i32
    return %arg0, %c0_i32 : i32, i32
  }
  func.func @transform_2(%arg0: i32) -> (i32, i32) {
    %c0_i32 = arith.constant 0 : i32
    %c0_i32_0 = arith.constant 0 : i32
    return %arg0, %c0_i32 : i32, i32
  }
  func.func @transform_3(%arg0: i32) -> (i32, i32) {
    %c0_i32 = arith.constant 0 : i32
    %c0_i32_0 = arith.constant 0 : i32
    %c0_i32_1 = arith.constant 0 : i32
    return %c0_i32, %c0_i32_0 : i32, i32
  }
  func.func @transform_4(%arg0: i32) -> (i32, i32) {
    %c0_i32 = arith.constant 0 : i32
    %c0_i32_0 = arith.constant 0 : i32
    %c0_i32_1 = arith.constant 0 : i32
    return %c0_i32, %c0_i32_0 : i32, i32
  }
  func.func @transform_5(%arg0: i32) -> (i32, i32) {
    %c0_i32 = arith.constant 0 : i32
    %c0_i32_0 = arith.constant 0 : i32
    %c0_i32_1 = arith.constant 0 : i32
    return %c0_i32, %c0_i32_0 : i32, i32
  }
  func.func @transform_6(%arg0: i32) -> (i32, i32) {
    %c0_i32 = arith.constant 0 : i32
    %c0_i32_0 = arith.constant 0 : i32
    return %arg0, %c0_i32 : i32, i32
  }
}

</mosaic_0001>

<sc_bundles>
// kernel: kernel.4.cloned.1.call-start
scs
__scs_entry_jumppad:
0x0: {  	(pc) =	sbr.rel $0x88, $3  }
0x1: {  	(tag) =	ssettag $0x0;
	lr =	simm.s32 $0x1  }
0x2: {  	[smem:$0x3F9A] =	sst lr;
	_ =	strace $0xD0000000  }
0x3: {  	_ = 	snop  }
0x4: {  	_ = 	snop  }
0x5: {  	_ = 	snop  }
0x6: {  	_ = 	snop  }
0x7: {  	_ = 	snop  }
__scs_overlays_trampoline_lowered:
0x8: {  	[smem:$0x3FA9] =	sst s0  }
0x9: {  	[smem:$0x3FAA] =	sst s1  }
0xa: {  	[smem:$0x3FAB] =	sst s2  }
0xb: {  	[smem:$0x3FAC] =	sst s3  }
0xc: {  	[smem:$0x3FAD] =	sst s4  }
0xd: {  	[smem:$0x3FAE] =	sst s5  }
0xe: {  	[smem:$0x3FAF] =	sst s6  }
0xf: {  	[smem:$0x3FB0] =	sst s7  }
0x10: {  	[smem:$0x3FB1] =	sst s8  }
0x11: {  	[smem:$0x3FB2] =	sst s9;
	s0 =	simm.s32 @!p0 $0x0  }
0x12: {  	s1 =	sld [smem:$0x3F98];
	s0 =	simm.s32 @p0 $0x1  }
0x13: {  	[smem:$0x3FB3] =	sst s0;
	s0 =	simm.s32 @!p1 $0x0  }
0x14: {  	s2 =	sld [smem:$0x3F97];
	s0 =	simm.s32 @p1 $0x1  }
0x15: {  	[smem:$0x3FB4] =	sst s0;
	s0 =	simm.s32 @!p2 $0x0  }
0x16: {  	s3 =	sld [smem:$0x3FDB];
	s0 =	simm.s32 @p2 $0x1  }
0x17: {  	s4 =	simm.s32 $0x1BF5;
	[smem:$0x3FB6] =	sst s0  }
0x18: {  	s0 =	sld [smem:$0x3F99];
	_ =	swait.ge [sflag:s4], $0x0  }
0x19: {  	s7 =	sld [smem:$0x3F9A]  }
0x1a: {  	s8 =	sadd.s32 $0xFFFFE003, lr  }
0x1b: {  	s9 =	sadd.s32 $0xFFFFFEF7, lr;
	s5 =	simm.s32 $0xFFFFFFFF;
	p2 =	slt.u32 s8, $0xFFFFF086  }
0x1c: {  	p1 =	slt.u32 s9, $0xF7A;
	s5 =	simm.s32 @!p2 $0x0  }
0x1d: {  	s5 =	simm.s32 @p1 $0x1;
	p0 =	seq.s32 s7, s2  }
0x1e: {  	s7 =	smul.u32 @!p0 $0xF7A, s2;
	p2 =	seq.s32 @!p0 s5, $0x0  }
0x1f: {  	s9 =	smul.u32 $0xF7A, s1;
	s8 =	simm.s32 @!p0 $0x1BF5;
	p2 =	por !p2, p0  }
0x20: {  	[sflag:s8] =	ssyncset.s32 @!p0 $0xFFFFF086;
	s6 =	sadd.s32 @!p0 s3, s7;
	s7 =	simm.s32 @!p0 $0x108  }
0x21: {  	s3 =	sadd.s32 s3, s9;
	s6 =	sadd.s32 @!p0 $0x88, s6;
	s7 =	simm.s32 @p2 $0x1082  }
0x22: {  	[simem:s7], [sflag:s8] =	dma.local @!p0 [hbm:s6], $0xF7A  }
0x23: {  	s9 =	sor.u32 $0xD0000000, s2;
	s6 =	simm.s32 $0x108;
	_ =	swait.ge @!p0 [sflag:s8], $0x0  }
0x24: {  	s3 =	sadd.s32 $0x88, s3;
	s6 =	simm.s32 @!p1 $0x1082;
	[sflag:s4] =	ssyncset.s32 $0xFFFFF086  }
0x25: {  	[simem:s6], [sflag:s4] =	dma.local [hbm:s3], $0xF7A  }
0x26: {  	[smem:$0x3F9A] =	sst s1;
	(tag) =	ssettag s2;
	_ =	strace s9  }
0x27: {  	s1 =	sld [smem:$0x3FAA]  }
0x28: {  	s2 =	sld [smem:$0x3FAB]  }
0x29: {  	s4 =	sld [smem:$0x3FAD]  }
0x2a: {  	p0 =	seq.s32 s5, $0x0;
	s5 =	sld [smem:$0x3FAE]  }
0x2b: {  	s6 =	sld [smem:$0x3FAF]  }
0x2c: {  	s7 =	sld [smem:$0x3FB0]  }
0x2d: {  	s3 =	simm.s32 $0x108;
	s8 =	sld [smem:$0x3FB1]  }
0x2e: {  	s3 =	simm.s32 @!p0 $0x1082;
	s9 =	sld [smem:$0x3FB2]  }
0x2f: {  	lr =	sadd.s32 s0, s3;
	s0 =	sld [smem:$0x3FA9]  }
0x30: {  	s3 =	sld [smem:$0x3FAC]  }
0x31: {  	[smem:$0x3FB5] =	sst s10  }
0x32: {  	s10 =	sld [smem:$0x3FB3];
	_ =	sdelay $0x3  }
0x33: {  	p0 =	seq.s32 s10, $0x1;
	s10 =	sld [smem:$0x3FB5];
	_ =	sdelay $0x3  }
0x34: {  	[smem:$0x3FB5] =	sst s10  }
0x35: {  	s10 =	sld [smem:$0x3FB4];
	_ =	sdelay $0x3  }
0x36: {  	p1 =	seq.s32 s10, $0x1;
	s10 =	sld [smem:$0x3FB5];
	_ =	sdelay $0x3  }
0x37: {  	[smem:$0x3FB5] =	sst s10  }
0x38: {  	s10 =	sld [smem:$0x3FB6]  }
0x39: {  	_ = 	snop;
	(pc) =	sbr.ind lr, $3  }
0x3a: {  	_ = 	snop  }
0x3b: {  	_ = 	snop  }
0x3c: {  	p2 =	seq.s32 s10, $0x1;
	s10 =	sld [smem:$0x3FB5]  }
0x3d: {  	_ =	shalt  }
0x3e: {  	_ =	shalt  }
0x3f: {  	_ =	shalt  }
0x40: {  	_ =	shalt  }
0x41: {  	_ =	shalt  }
0x42: {  	_ =	shalt  }
0x43: {  	_ =	shalt  }
0x44: {  	_ =	shalt  }
0x45: {  	_ =	shalt  }
0x46: {  	_ =	shalt  }
0x47: {  	_ =	shalt  }
0x48: {  	_ =	shalt  }
0x49: {  	_ =	shalt  }
0x4a: {  	_ =	shalt  }
0x4b: {  	_ =	shalt  }
0x4c: {  	_ =	shalt  }
0x4d: {  	_ =	shalt  }
0x4e: {  	_ =	shalt  }
0x4f: {  	_ =	shalt  }
0x50: {  	_ =	shalt  }
0x51: {  	_ =	shalt  }
0x52: {  	_ =	shalt  }
0x53: {  	_ =	shalt  }
0x54: {  	_ =	shalt  }
0x55: {  	_ =	shalt  }
0x56: {  	_ =	shalt  }
0x57: {  	_ =	shalt  }
0x58: {  	_ =	shalt  }
0x59: {  	_ =	shalt  }
0x5a: {  	_ =	shalt  }
0x5b: {  	_ =	shalt  }
0x5c: {  	_ =	shalt  }
0x5d: {  	_ =	shalt  }
0x5e: {  	_ =	shalt  }
0x5f: {  	_ =	shalt  }
0x60: {  	_ =	shalt  }
0x61: {  	_ =	shalt  }
0x62: {  	_ =	shalt  }
0x63: {  	_ =	shalt  }
0x64: {  	_ =	shalt  }
0x65: {  	_ =	shalt  }
0x66: {  	_ =	shalt  }
0x67: {  	_ =	shalt  }
0x68: {  	_ =	shalt  }
0x69: {  	_ =	shalt  }
0x6a: {  	_ =	shalt  }
0x6b: {  	_ =	shalt  }
0x6c: {  	_ =	shalt  }
0x6d: {  	_ =	shalt  }
0x6e: {  	_ =	shalt  }
0x6f: {  	_ =	shalt  }
0x70: {  	_ =	shalt  }
0x71: {  	_ =	shalt  }
0x72: {  	_ =	shalt  }
0x73: {  	_ =	shalt  }
0x74: {  	_ =	shalt  }
0x75: {  	_ =	shalt  }
0x76: {  	_ =	shalt  }
0x77: {  	_ =	shalt  }
0x78: {  	_ =	shalt  }
0x79: {  	_ =	shalt  }
0x7a: {  	_ =	shalt  }
0x7b: {  	_ =	shalt  }
0x7c: {  	_ =	shalt  }
0x7d: {  	_ =	shalt  }
0x7e: {  	_ =	shalt  }
0x7f: {  	_ =	shalt  }
0x80: {  	_ =	shalt  }
0x81: {  	_ =	shalt  }
0x82: {  	_ =	shalt  }
0x83: {  	_ =	shalt  }
0x84: {  	_ =	shalt  }
0x85: {  	_ =	shalt  }
0x86: {  	_ =	shalt  }
0x87: {  	_ =	shalt  }
.Lfunc_end0:
.L_simem_size_0:
called_computation_lowered:
.L_overlay_start_0:
0x88: {  	s2 =	sld [smem:$0x3FD9]  }
0x89: {  	s3 =	sld [smem:$0x3FFE];
	_ =	sdelay $0x1  }
0x8a: {  	s1 =	srdreg.scid  }
0x8b: {  	s0 =	sand.u32 $0x1, s1  }
0x8c: {  	s17 =	sshll.u32 s0, $0xA;
	s2 =	sadd.s32 s3, s2  }
0x8d: {  	s2 =	sadd.s32 s2, s17  }
0x8e: {  	[smem:$0x3FC1] =	sst s2  }
0x8f: {  	_ = 	snop  }
0x90: {  	s2 =	sld [smem:$0x3FC9]  }
0x91: {  	s18 =	sld [smem:$0x3FD0];
	(tm) =	ssettm $0x1  }
0x92: {  	s4 =	sld [smem:$0x3FFB];
	_ =	sdelay $0x3  }
0x93: {  	_ =	strace s4  }
0x94: {  	s4 =	sld [smem:$0x3FFC];
	_ =	sdelay $0x3  }
0x95: {  	_ =	strace s4  }
0x96: {  	s4 =	sld [smem:$0x3FFD];
	_ =	sdelay $0x3  }
0x97: {  	_ =	strace s4  }
0x98: {  	_ =	strace $0x8FFFFFFF  }
0x99: {  	s19 =	sld [smem:$0x3FDB];
	_ =	sdelay $0x1  }
0x9a: {  	s5 =	simm.s32 $_scs_section_size  }
0x9b: {  	s6 =	simm.s32 $_size__tile_overlayer_lowered;
	s7 =	simm.s32 $_tile_overlayer_lowered  }
0x9c: {  	s22 =	simm.s32 $0x1BFF;
	s21 =	sshll.u32 s7, $0x1;
	s4 =	sadd.s32 s5, s19  }
0x9d: {  	s8 =	simm.s32 $0x0;
	s20 =	sshll.u32 s6, $0x1;
	s6 =	sadd.s32 s21, s4  }
0x9e: {  	[timem:s8], [sflag:s22] =	dma.local [hbm:s6], s20  }
0x9f: {  	_ =	swait.ge [sflag:s22], s20  }
0xa0: {  	s5 =	ssub.s32 $0x0, s20;
	[sflag:s22] =	ssyncset.done $0x0  }
0xa1: {  	[sflag:s22] =	ssyncadd.s32 s5;
	_ =	sdelay $0x1  }
0xa2: {  	s23 =	simm.s32 $0x1B8B  }
0xa3: {  	_ =	swait.ge [sflag:s23], $0x1  }
0xa4: {  	[sflag:s23] =	ssyncset.done $0x0  }
0xa5: {  	s25 =	simm.s32 $0x1B8E;
	s24 =	sld [smem:$0x3FFE];
	[sflag:s23] =	ssyncadd.s32 $0xFFFFFFFF  }
0xa6: {  	s26 =	simm.s32 $execute0_lowered;
	[smem:$0x3FD2] =	sst s25  }
0xa7: {  	s6 =	sshll.u32 s26, $0x1;
	_ =	strace $0x80000046;
	[dreg:$0x1] =	wrdreg $0xFFFFFFFF  }
0xa8: {  	s28 =	simm.s32 $_size_execute0_lowered;
	s4 =	sadd.s32 s4, s6;
	[dreg:$0x0] =	wrdreg $0x0  }
0xa9: {  	s6 =	sshll.u32 s28, $0x1;
	[dreg:$0x2] =	wrdreg s4  }
0xaa: {  	[dreg:$0x3] =	wrdreg s6  }
0xab: {  	[dreg:$0x4] =	wrdreg $0xC0  }
0xac: {  	_ =	task [dreg:s8], $0x5FFFF  }
0xad: {  	[dreg:$0x1] =	wrdreg $0xFFFFFFFF  }
0xae: {  	[dreg:$0x0] =	wrdreg $0x60  }
0xaf: {  	[dreg:$0x2] =	wrdreg s2  }
0xb0: {  	[dreg:$0x3] =	wrdreg s24  }
0xb1: {  	[dreg:$0x4] =	wrdreg s18  }
0xb2: {  	[dreg:$0x5] =	wrdreg $0xBC000  }
0xb3: {  	[dreg:$0x6] =	wrdreg $0x9  }
0xb4: {  	_ =	task.clear_ibuf [dreg:s8], $0x7FFFF;
	_ =	strace $0x90000046  }
0xb5: {  	s29 =	simm.s32 $0x9;
	_ =	strace $0x80000048  }
0xb6: {  	_ =	swait.ge [sflag:s29], $0x1  }
0xb7: {  	[sflag:s29] =	ssyncadd.s32 $0xFFFFFFFF  }
0xb8: {  	_ =	strace $0x90000048  }
0xb9: {  	_ =	sfence  }
0xba: {  	s30 =	sld [smem:$0x0];
	_ =	sdelay $0x2  }
0xbb: {  	s31 =	sshll.u32 s1, $0xD;
	s1 =	sshrl.u32 s1, $0x2  }
0xbc: {  	s3 =	sand.u32 $0x4000, s31;
	s1 =	sadd.s32 s1, s30  }
0xbd: {  	s0 =	sor.u32 s3, s0;
	s1 =	sshll.u32 s1, $0x11  }
0xbe: {  	s0 =	sor.u32 s1, s0  }
0xbf: {  	s0 =	sadd.s32 $0x8F2B, s0  }
0xc0: {  	[sflag:s0] =	ssyncadd.remote.s32 $0x1  }
0xc1: {  	_ =	sfence.sel $0xFFFF  }
0xc2: {  	[dreg:$0x0] =	wrdreg $0xFFFFFFFF;
	(pc) =	sbr.abs _section_cstart, $3  }
0xc3: {  	[dreg:$0x1] =	wrdreg $0xFFFFFFFF  }
0xc4: {  	_ =	task.clear_ibuf [dreg:s8], $0x2FFFF;
	_ =	strace $0x9FFFFFFF  }
0xc5: {  	(tm) =	ssettm $0x7FFFFFFF  }
tec
execute0_lowered:
.L_overlay_start_1:
0x0: {  	(tag) =	ssettag $0x1  }
0x1: {  	s1 =	rddreg [dreg:$0x0]  }
0x2: {  	s2 =	rddreg [dreg:$0x1]  }
0x3: {  	s6 =	rddreg [dreg:$0x2];
	s0 =	stileid.u32  }
0x4: {  	s4 =	srdreg.scid;
	s5 =	smul.u32 $0x280, s0  }
0x5: {  	s3 =	rddreg [dreg:$0x3];
	s10 =	smul.u32 $0x50000, s0  }
0x6: {  	s29 =	simm.s32 $0x3C00;
	s30 =	simm.s32 $0x3;
	s11 =	smul.u32 $0x780, s0  }
0x7: {  	s31 =	simm.s32 $0x1400;
	s7 =	sand.u32 $0x1, s4;
	s13 =	smul.u32 $0x3C00, s0  }
0x8: {  	s4 =	simm.s32 $0x0;
	s9 =	sadd.s32 $0xB200, s2;
	s20 =	smul.u32 $0x1400, s0  }
0x9: {  	s8 =	smul.u32 $0x2800, s7;
	[smem:$0x7FF] =	sst s4;
	s14 =	ssub.s32 $0x2, s7  }
0xa: {  	p0 =	seq.s32 s7, $0x1;
	_ =	strace $0x80000047;
	s12 =	sshrl.u32 s14, $0x1  }
0xb: {  	s10 =	sshrl.u32 s10, $0x2;
	s15 =	sadd.s32 s9, s11;
	s16 =	sadd.s32 s6, s11  }
0xc: {  	s17 =	sshrl.u32 s13, $0x3;
	s24 =	sshrl.u32 s20, $0x3;
	s5 =	sadd.s32 s8, s5  }
0xd: {  	s8 =	sadd.s32 $0x1200, s2;
	s12 =	ssub.s32 s14, s12;
	[dreg:$0x5] =	wrdreg s15  }
0xe: {  	[dreg:$0x6] =	wrdreg s16;
	s19 =	sadd.s32 $0x280, s17;
	s18 =	sadd.s32 s8, s11  }
0xf: {  	s7 =	sadd.s32 $0x500, s17;
	s21 =	sadd.s32 s9, s19;
	[dreg:$0x7] =	wrdreg s18  }
0x10: {  	s26 =	sadd.s32 $0x7800, s24;
	s22 =	sadd.s32 s6, s19;
	[dreg:$0x8] =	wrdreg s21  }
0x11: {  	s5 =	sshll.u32 s5, $0x4;
	s23 =	sadd.s32 s9, s7;
	[dreg:$0x9] =	wrdreg s22  }
0x12: {  	s25 =	sadd.s32 s6, s7;
	s7 =	sadd.s32 s8, s7;
	[dreg:$0xb] =	wrdreg s23  }
0x13: {  	s9 =	sadd.s32 s9, s26;
	s6 =	sadd.s32 s6, s26;
	[dreg:$0xc] =	wrdreg s25  }
0x14: {  	s17 =	sadd.s32 s8, s26;
	s2 =	sadd.s32 s5, s2;
	[dreg:$0xd] =	wrdreg s7  }
0x15: {  	s5 =	sadd.s32 s10, s3;
	s10 =	sadd.s32 s8, s19;
	[dreg:$0xe] =	wrdreg s9  }
0x16: {  	[dreg:$0xf] =	wrdreg s6;
	s19 =	smax.u32 s12, $0x1;
	s6 =	simm.s32 $0x80  }
.Ltmp0:
0x17: {  	s7 =	simm.s32 $0x7C00;
	s8 =	simm.s32 $0x1;
	(pc) =	sbr.rel .LBB2_1-.Ltmp0, $4  }
0x18: {  	s9 =	simm.s32 $0x2;
	[dreg:$0xa] =	wrdreg s10;
	s18 =	sadd.s32 $0x15200, s2  }
0x19: {  	s20 =	sadd.s32 $0x4000, s5;
	s21 =	sadd.s32 $0x8000, s5;
	s22 =	sadd.s32 $0x15A00, s2  }
0x1a: {  	s23 =	sadd.s32 $0x16200, s2;
	s24 =	sadd.s32 $0x16A00, s2;
	s25 =	sadd.s32 $0x17200, s2  }
0x1b: {  	v0 =	vimm.f32 $0.0e+00;
	s26 =	sadd.s32 $0xC000, s5;
	s28 =	sadd.s32 $0x10000, s5;
	s2 =	simm.s32 $0x2800  }
.LBB2_28:
0x1c: {  	s10 =	sshll.u32 s0, $0x6  }
0x1d: {  	[bflag:$0x0] =	sbarrier.arrive $0xFFFF;
	s11 =	sshrl.u32 s5, $0x3;
	s10 =	sor.u32 $0x1C03, s10  }
0x1e: {  	[hbm:s18], [sflag:s10] =	dma.local [spmem:s11], $0x800  }
0x1f: {  	_ =	swait.ge [sflag:s30], $0x800  }
0x20: {  	[sflag:s30] =	ssyncset.done $0x0  }
0x21: {  	s13 =	sshrl.u32 s20, $0x3;
	[sflag:s30] =	ssyncadd.s32 $0xFFFFF800  }
0x22: {  	[hbm:s22], [sflag:s10] =	dma.local [spmem:s13], $0x800  }
0x23: {  	_ =	swait.ge [sflag:s30], $0x800  }
0x24: {  	[sflag:s30] =	ssyncset.done $0x0  }
0x25: {  	s14 =	sshrl.u32 s21, $0x3;
	[sflag:s30] =	ssyncadd.s32 $0xFFFFF800  }
0x26: {  	[hbm:s23], [sflag:s10] =	dma.local [spmem:s14], $0x800  }
0x27: {  	_ =	swait.ge [sflag:s30], $0x800  }
0x28: {  	[sflag:s30] =	ssyncset.done $0x0  }
0x29: {  	s15 =	sshrl.u32 s26, $0x3;
	[sflag:s30] =	ssyncadd.s32 $0xFFFFF800  }
0x2a: {  	[hbm:s24], [sflag:s10] =	dma.local [spmem:s15], $0x800  }
0x2b: {  	s4 =	sadd.s32 $0x1, s4;
	_ =	swait.ge [sflag:s30], $0x800  }
0x2c: {  	p1 =	sne.s32 s4, s19;
	[sflag:s30] =	ssyncset.done $0x0  }
.Ltmp1:
0x2d: {  	s16 =	sshrl.u32 s28, $0x3;
	[sflag:s30] =	ssyncadd.s32 $0xFFFFF800;
	(pc) =	sbr.rel @!p1 .LBB2_29-.Ltmp1, $4  }
0x2e: {  	[hbm:s25], [sflag:s10] =	dma.local [spmem:s16], $0x800  }
0x2f: {  	_ =	swait.ge [sflag:s30], $0x800  }
0x30: {  	[sflag:s30] =	ssyncset.done $0x0  }
0x31: {  	[sflag:s30] =	ssyncadd.s32 $0xFFFFF800  }
.LBB2_1:
0x32: {  	s10 =	simm.s32 $0x0;
	s11 =	simm.s32 $0x200  }
.LBB2_2:
0x33: {  	p1 =	sne.s32 s11, $0xFE00;
	[tilespmem:s10+$0x3C70] =	vst v0  }
0x34: {  	[tilespmem:s10+$0x3C00] =	vst v0  }
0x35: {  	[tilespmem:s10+$0x3C10] =	vst v0  }
.Ltmp2:
0x36: {  	[tilespmem:s10+$0x3C20] =	vst v0;
	(pc) =	sbr.rel @p1 .LBB2_2-.Ltmp2, $4  }
0x37: {  	[tilespmem:s10+$0x3C30] =	vst v0  }
0x38: {  	[tilespmem:s10+$0x3C40] =	vst v0  }
0x39: {  	[tilespmem:s10+$0x3C50] =	vst v0  }
0x3a: {  	[tilespmem:s10+$0x3C60] =	vst v0;
	s10 =	sshra.s32 s11, $0x2;
	s11 =	sadd.s32 $0x200, s11  }
0x3b: {  	[tilespmem:s10+$0x3C70] =	vst v0  }
0x3c: {  	[tilespmem:s10+$0x3C00] =	vst v0  }
0x3d: {  	[tilespmem:s10+$0x3C10] =	vst v0  }
0x3e: {  	[tilespmem:s10+$0x3C20] =	vst v0  }
0x3f: {  	[tilespmem:s10+$0x3C30] =	vst v0  }
0x40: {  	[tilespmem:s10+$0x3C40] =	vst v0  }
0x41: {  	[tilespmem:s10+$0x3C50] =	vst v0  }
0x42: {  	[tilespmem:s10+$0x3C60] =	vst v0  }
0x43: {  	[spmem:s5] =	stream.linear.scatter [tilespmem:s29], [sflag:$0x3], $0x4000, $0x38;
	[tilespmem:$0x1FC00] =	vst v63  }
0x44: {  	_ =	swait.ge [sflag:s30], $0x4000  }
0x45: {  	[sflag:s30] =	ssyncset.done $0x0  }
0x46: {  	[sflag:s30] =	ssyncadd.s32 $0xFFFFC000  }
0x47: {  	[spmem:s20] =	stream.linear.scatter [tilespmem:s29], [sflag:$0x3], $0x4000, $0x38;
	[tilespmem:$0x1FC00] =	vst v63  }
0x48: {  	_ =	swait.ge [sflag:s30], $0x4000  }
0x49: {  	[sflag:s30] =	ssyncset.done $0x0  }
0x4a: {  	[sflag:s30] =	ssyncadd.s32 $0xFFFFC000  }
0x4b: {  	[spmem:s21] =	stream.linear.scatter [tilespmem:s29], [sflag:$0x3], $0x4000, $0x38;
	[tilespmem:$0x1FC00] =	vst v63  }
0x4c: {  	_ =	swait.ge [sflag:s30], $0x4000  }
0x4d: {  	[sflag:s30] =	ssyncset.done $0x0  }
0x4e: {  	[sflag:s30] =	ssyncadd.s32 $0xFFFFC000  }
0x4f: {  	[spmem:s26] =	stream.linear.scatter [tilespmem:s29], [sflag:$0x3], $0x4000, $0x38;
	[tilespmem:$0x1FC00] =	vst v63  }
0x50: {  	_ =	swait.ge [sflag:s30], $0x4000  }
0x51: {  	[sflag:s30] =	ssyncset.done $0x0  }
0x52: {  	[sflag:s30] =	ssyncadd.s32 $0xFFFFC000  }
0x53: {  	[spmem:s28] =	stream.linear.scatter [tilespmem:s29], [sflag:$0x3], $0x4000, $0x38;
	[tilespmem:$0x1FC00] =	vst v63  }
.Ltmp3:
0x54: {  	_ =	swait.ge [sflag:s30], $0x4000;
	(pc) =	sbr.rel @!p0 .LBB2_4-.Ltmp3, $4  }
0x55: {  	[sflag:s30] =	ssyncset.done $0x0  }
0x56: {  	[sflag:s30] =	ssyncadd.s32 $0xFFFFC000  }
0x57: {  	[bflag:$0x0] =	sbarrier.arrive $0xFFFF  }
0x58: {  	s10 =	simm.s32 $0x0  }
0x59: {  	s11 =	rddreg [dreg:$0xe]  }
0x5a: {  	[tilespmem:s10], [sflag:$0x3] =	stream.linear.gather [hbm4b:s11+s10], $0x1400, $0x38;
	[tilespmem:$0x1FC00] =	vst v63  }
0x5b: {  	_ =	swait.ge [sflag:s30], $0x1400  }
0x5c: {  	[sflag:s30] =	ssyncset.done $0x0  }
0x5d: {  	s16 =	rddreg [dreg:$0xf];
	[sflag:s30] =	ssyncadd.s32 $0xFFFFEC00  }
0x5e: {  	[tilespmem:s31], [sflag:$0x3] =	stream.linear.gather [hbm4b:s16+s10], $0x1400, $0x38;
	[tilespmem:$0x1FC00] =	vst v63  }
0x5f: {  	_ =	swait.ge [sflag:s30], $0x1400  }
0x60: {  	[sflag:s30] =	ssyncset.done $0x0  }
0x61: {  	[sflag:s30] =	ssyncadd.s32 $0xFFFFEC00  }
0x62: {  	[tilespmem:s2], [sflag:$0x3] =	stream.linear.gather [hbm4b:s17+s10], $0x1400, $0x38;
	[tilespmem:$0x1FC00] =	vst v63  }
0x63: {  	_ =	swait.ge [sflag:s30], $0x1400  }
0x64: {  	[sflag:s30] =	ssyncset.done $0x0  }
0x65: {  	s11 =	simm.s32 $0x0;
	[sflag:s30] =	ssyncadd.s32 $0xFFFFEC00  }
0x66: {  	[tilespmem:s29], [sflag:$0x1] =	stream.indirect.gather [hbm4b:s1+s6], $0x80, s10, s6, $0xb8;
	[tilespmem:$0x1FC00] =	vst v63  }
.LBB2_23:
0x67: {  	s12 =	sshllo.u32 s11, $0x1;
	s13 =	sshll.u32 s11, $0x8;
	v2 =	vmov s10  }
0x68: {  	s12 =	sshll.u32 s12, $0x7;
	v1 =	vmov s13;
	v2 =	vand.u32 $0x7F, v2  }
0x69: {  	[tilespmem:s7], [sflag:$0x2] =	stream.indirect.gather [hbm4b:s1+s6], $0x80, s12, s6, $0xb8;
	v2 =	vadd.s32 v1, v2;
	[tilespmem:$0x1FC00] =	vst v63  }
0x6a: {  	_ =	swait.ge [sflag:s8], $0x4000;
	v2 =	vbroadcast v2, $0x0  }
0x6b: {  	[sflag:s8] =	ssyncset.done $0x0  }
0x6c: {  	s13 =	simm.s32 $0x3C40;
	[sflag:s8] =	ssyncadd.s32 $0xFFFFC000  }
0x6d: {  	v6 =	vld [tilespmem:s13+$0x30]  }
0x6e: {  	v9 =	vld [tilespmem:s13+$0x10]  }
0x6f: {  	v7 =	vld [tilespmem:s13+$0xFFFFFFC0]  }
0x70: {  	v3 =	vld.idx.msk [tilespmem:v2+s2+$0x0], $0xffff  }
0x71: {  	v12 =	vld [tilespmem:s13+$0xFFFFFFE0]  }
0x72: {  	v4 =	vld [tilespmem:s13+$0x20]  }
0x73: {  	v5 =	vld [tilespmem:s13+$0xFFFFFFD0]  }
0x74: {  	v2 =	vld [tilespmem:s13+$0xFFFFFFF0]  }
0x75: {  	v10 =	vmul.f32 v6, v3;
	v6 =	vld [tilespmem:s13+$0x0]  }
0x76: {  	s14 =	simm.s32 $0x1;
	v8 =	vmul.f32 v7, v3  }
0x77: {  	s15 =	simm.s32 $0x2;
	v11 =	vmov s14;
	s14 =	simm.s32 $0x3C40;
	v7 =	vmul.f32 v12, v3;
	v9 =	vmul.f32 v9, v3  }
.LBB2_24:
0x78: {  	p1 =	sne.s32 s15, $0x7F  }
0x79: {  	v11 =	vand.u32 $0x7F, v11;
	v5 =	vmul.f32 v5, v3;
	v4 =	vmul.f32 v4, v3;
	[tilespmem:s13+$0x30] =	vst v10;
	s14 =	sadd.s32 $0x80, s14;
	s16 =	smov.u32 s15;
	s15 =	sadd.s32 $0x1, s15  }
0x7a: {  	v10 =	vadd.s32 v1, v11;
	[tilespmem:s13+$0xFFFFFFC0] =	vst v8;
	v8 =	vmul.f32 v2, v3;
	v3 =	vmul.f32 v6, v3  }
0x7b: {  	v6 =	vbroadcast v10, $0x0;
	[tilespmem:s13+$0x10] =	vst v9  }
0x7c: {  	[tilespmem:s13+$0xFFFFFFE0] =	vst v7  }
0x7d: {  	v2 =	vld [tilespmem:s14+$0xFFFFFFF0];
	[tilespmem:s13+$0xFFFFFFF0] =	vst v8  }
0x7e: {  	v7 =	vld [tilespmem:s14+$0x30];
	[tilespmem:s13+$0x0] =	vst v3  }
0x7f: {  	v9 =	vld [tilespmem:s14+$0x10];
	[tilespmem:s13+$0x20] =	vst v4  }
0x80: {  	v8 =	vld [tilespmem:s14+$0xFFFFFFC0];
	[tilespmem:s13+$0xFFFFFFD0] =	vst v5;
	s13 =	smov.u32 s14  }
0x81: {  	v3 =	vld.idx.msk [tilespmem:v6+s2+$0x0], $0xffff  }
0x82: {  	v12 =	vld [tilespmem:s14+$0xFFFFFFE0]  }
0x83: {  	v4 =	vld [tilespmem:s14+$0x20]  }
.Ltmp4:
0x84: {  	v5 =	vld [tilespmem:s14+$0xFFFFFFD0];
	(pc) =	sbr.rel @p1 .LBB2_24-.Ltmp4, $3  }
0x85: {  	v6 =	vld [tilespmem:s14+$0x0];
	_ =	sdelay $0x1  }
0x86: {  	v8 =	vmul.f32 v8, v3;
	v10 =	vmul.f32 v7, v3  }
0x87: {  	v11 =	vmov s16;
	v9 =	vmul.f32 v9, v3;
	v7 =	vmul.f32 v12, v3  }
0x88: {  	[tilespmem:s13+$0xFFFFFFC0] =	vst v8;
	v8 =	vand.u32 $0x7F, v11  }
0x89: {  	[tilespmem:s13+$0x30] =	vst v10;
	v1 =	vadd.s32 v1, v8  }
0x8a: {  	v2 =	vmul.f32 v2, v3;
	[tilespmem:s13+$0x10] =	vst v9;
	v1 =	vbroadcast v1, $0x0  }
0x8b: {  	s14 =	sadd.s32 $0x80, s14;
	[tilespmem:s13+$0xFFFFFFE0] =	vst v7;
	v6 =	vmul.f32 v6, v3  }
0x8c: {  	v4 =	vmul.f32 v4, v3;
	v7 =	vld [tilespmem:s14+$0xFFFFFFF0];
	[tilespmem:s13+$0xFFFFFFF0] =	vst v2  }
0x8d: {  	v3 =	vmul.f32 v5, v3;
	v2 =	vld [tilespmem:s14+$0x30];
	[tilespmem:s13+$0x0] =	vst v6  }
0x8e: {  	v5 =	vld [tilespmem:s14+$0x10];
	[tilespmem:s13+$0x20] =	vst v4  }
0x8f: {  	v4 =	vld [tilespmem:s14+$0xFFFFFFC0];
	[tilespmem:s13+$0xFFFFFFD0] =	vst v3  }
0x90: {  	v1 =	vld.idx.msk [tilespmem:v1+s2+$0x0], $0xffff;
	_ =	sdelay $0x2  }
0x91: {  	v3 =	vld [tilespmem:s14+$0xFFFFFFE0];
	_ =	sdelay $0x1  }
0x92: {  	v6 =	vld [tilespmem:s14+$0x0];
	v2 =	vmul.f32 v2, v1  }
0x93: {  	v8 =	vld [tilespmem:s14+$0x20];
	v4 =	vmul.f32 v4, v1  }
0x94: {  	v9 =	vld [tilespmem:s14+$0xFFFFFFD0];
	v5 =	vmul.f32 v5, v1;
	[tilespmem:s14+$0x30] =	vst v2  }
0x95: {  	v2 =	vmul.f32 v3, v1;
	[tilespmem:s14+$0xFFFFFFC0] =	vst v4  }
0x96: {  	v3 =	vmul.f32 v7, v1;
	[tilespmem:s14+$0x10] =	vst v5  }
0x97: {  	v4 =	vmul.f32 v6, v1;
	[tilespmem:s14+$0xFFFFFFE0] =	vst v2  }
0x98: {  	v2 =	vmul.f32 v8, v1;
	[tilespmem:s14+$0xFFFFFFF0] =	vst v3  }
0x99: {  	s13 =	sshll.u32 s11, $0xA;
	v1 =	vmul.f32 v9, v1;
	[tilespmem:s14+$0x0] =	vst v4  }
0x9a: {  	s15 =	sshrl.u32 s13, $0x2;
	[tilespmem:s14+$0x20] =	vst v2  }
0x9b: {  	p1 =	seq.s32 s11, $0x13;
	s16 =	sadd.s32 $0x1400, s15;
	[tilespmem:s14+$0xFFFFFFD0] =	vst v1  }
0x9c: {  	[spmem:s3] =	stream.indirect.scatter.add.f32 [tilespmem:s29], [sflag:$0x3], $0x80, s16, s6, $0xb8;
	[tilespmem:$0x1FC00] =	vst v63  }
0x9d: {  	s13 =	sshrl.u32 @!p1 s13, $0x2;
	s15 =	simm.s32 $0x0;
	_ =	swait.ge [sflag:s30], $0x4000  }
0x9e: {  	s13 =	sadd.s32 @!p1 $0x100, s13;
	v2 =	vmov s15;
	[sflag:s30] =	ssyncset.done $0x0  }
0x9f: {  	s14 =	simm.s32 @!p1 $0x80;
	s15 =	simm.s32 @!p1 $0x3C00;
	v1 =	vmov s12;
	v2 =	vand.u32 $0x7F, v2;
	[sflag:s30] =	ssyncadd.s32 $0xFFFFC000  }
0xa0: {  	v2 =	vadd.s32 v1, v2;
	[tilespmem:s15], [sflag:$0x1] =	stream.indirect.gather @!p1 [hbm4b:s1+s14], $0x80, s13, s14, $0xb8;
	[tilespmem:$0x1FC00] =	vst v63  }
0xa1: {  	v2 =	vbroadcast v2, $0x0;
	_ =	swait.ge [sflag:s9], $0x4000  }
0xa2: {  	[sflag:s9] =	ssyncset.done $0x0  }
0xa3: {  	s13 =	simm.s32 $0x7C40;
	[sflag:s9] =	ssyncadd.s32 $0xFFFFC000  }
0xa4: {  	v6 =	vld [tilespmem:s13+$0x30]  }
0xa5: {  	v9 =	vld [tilespmem:s13+$0x10]  }
0xa6: {  	v7 =	vld [tilespmem:s13+$0xFFFFFFC0]  }
0xa7: {  	v3 =	vld.idx.msk [tilespmem:v2+s2+$0x0], $0xffff  }
0xa8: {  	v12 =	vld [tilespmem:s13+$0xFFFFFFE0]  }
0xa9: {  	v2 =	vld [tilespmem:s13+$0xFFFFFFF0]  }
0xaa: {  	v4 =	vld [tilespmem:s13+$0x20]  }
0xab: {  	v5 =	vld [tilespmem:s13+$0xFFFFFFD0]  }
0xac: {  	v10 =	vmul.f32 v6, v3;
	v6 =	vld [tilespmem:s13+$0x0]  }
0xad: {  	s16 =	simm.s32 $0x1;
	v8 =	vmul.f32 v7, v3  }
0xae: {  	v11 =	vmov s16;
	s15 =	simm.s32 $0x2;
	s14 =	simm.s32 $0x7C40;
	v7 =	vmul.f32 v12, v3;
	v9 =	vmul.f32 v9, v3  }
.LBB2_26:
0xaf: {  	p1 =	sne.s32 s15, $0x7F  }
0xb0: {  	v11 =	vand.u32 $0x7F, v11;
	v5 =	vmul.f32 v5, v3;
	v4 =	vmul.f32 v4, v3;
	[tilespmem:s13+$0x30] =	vst v10;
	s14 =	sadd.s32 $0x80, s14;
	s16 =	smov.u32 s15;
	s15 =	sadd.s32 $0x1, s15  }
0xb1: {  	v10 =	vadd.s32 v1, v11;
	[tilespmem:s13+$0xFFFFFFC0] =	vst v8;
	v8 =	vmul.f32 v2, v3;
	v3 =	vmul.f32 v6, v3  }
0xb2: {  	v6 =	vbroadcast v10, $0x0;
	[tilespmem:s13+$0x10] =	vst v9  }
0xb3: {  	[tilespmem:s13+$0xFFFFFFE0] =	vst v7  }
0xb4: {  	v2 =	vld [tilespmem:s14+$0xFFFFFFF0];
	[tilespmem:s13+$0xFFFFFFF0] =	vst v8  }
0xb5: {  	v7 =	vld [tilespmem:s14+$0x30];
	[tilespmem:s13+$0x0] =	vst v3  }
0xb6: {  	v9 =	vld [tilespmem:s14+$0x10];
	[tilespmem:s13+$0x20] =	vst v4  }
0xb7: {  	v8 =	vld [tilespmem:s14+$0xFFFFFFC0];
	[tilespmem:s13+$0xFFFFFFD0] =	vst v5;
	s13 =	smov.u32 s14  }
0xb8: {  	v3 =	vld.idx.msk [tilespmem:v6+s2+$0x0], $0xffff  }
0xb9: {  	v12 =	vld [tilespmem:s14+$0xFFFFFFE0]  }
0xba: {  	v4 =	vld [tilespmem:s14+$0x20]  }
.Ltmp5:
0xbb: {  	v5 =	vld [tilespmem:s14+$0xFFFFFFD0];
	(pc) =	sbr.rel @p1 .LBB2_26-.Ltmp5, $3  }
0xbc: {  	v6 =	vld [tilespmem:s14+$0x0];
	_ =	sdelay $0x1  }
0xbd: {  	v8 =	vmul.f32 v8, v3;
	v10 =	vmul.f32 v7, v3  }
0xbe: {  	v11 =	vmov s16;
	v9 =	vmul.f32 v9, v3;
	v7 =	vmul.f32 v12, v3  }
0xbf: {  	[tilespmem:s13+$0x30] =	vst v10;
	v58 =	vand.u32 $0x7F, v11  }
0xc0: {  	[tilespmem:s13+$0xFFFFFFC0] =	vst v8;
	v1 =	vadd.s32 v1, v58  }
0xc1: {  	v2 =	vmul.f32 v2, v3;
	[tilespmem:s13+$0x10] =	vst v9;
	v1 =	vbroadcast v1, $0x0  }
0xc2: {  	s14 =	sadd.s32 $0x80, s14;
	[tilespmem:s13+$0xFFFFFFE0] =	vst v7;
	v6 =	vmul.f32 v6, v3  }
0xc3: {  	v4 =	vmul.f32 v4, v3;
	v3 =	vmul.f32 v5, v3;
	v7 =	vld [tilespmem:s14+$0xFFFFFFF0];
	[tilespmem:s13+$0xFFFFFFF0] =	vst v2  }
0xc4: {  	v2 =	vld [tilespmem:s14+$0x30];
	[tilespmem:s13+$0x0] =	vst v6  }
0xc5: {  	v60 =	vld [tilespmem:s14+$0xFFFFFFC0];
	[tilespmem:s13+$0xFFFFFFD0] =	vst v3  }
0xc6: {  	v59 =	vld [tilespmem:s14+$0x10];
	[tilespmem:s13+$0x20] =	vst v4  }
0xc7: {  	v1 =	vld.idx.msk [tilespmem:v1+s2+$0x0], $0xffff;
	_ =	sdelay $0x2  }
0xc8: {  	v6 =	vld [tilespmem:s14+$0x0]  }
0xc9: {  	v3 =	vld [tilespmem:s14+$0xFFFFFFE0]  }
0xca: {  	v2 =	vmul.f32 v2, v1  }
0xcb: {  	v61 =	vld [tilespmem:s14+$0x20];
	v4 =	vmul.f32 v60, v1  }
0xcc: {  	v62 =	vld [tilespmem:s14+$0xFFFFFFD0];
	v5 =	vmul.f32 v59, v1;
	[tilespmem:s14+$0x30] =	vst v2  }
0xcd: {  	v63 =	vmul.f32 v6, v1;
	[tilespmem:s14+$0xFFFFFFC0] =	vst v4  }
0xce: {  	v2 =	vmul.f32 v3, v1;
	[tilespmem:s14+$0x10] =	vst v5  }
0xcf: {  	v3 =	vmul.f32 v7, v1;
	[tilespmem:s14+$0x0] =	vst v63  }
0xd0: {  	[tilespmem:s14+$0xFFFFFFE0] =	vst v2;
	v2 =	vmul.f32 v61, v1  }
0xd1: {  	[tilespmem:s14+$0xFFFFFFF0] =	vst v3;
	v1 =	vmul.f32 v62, v1  }
0xd2: {  	s11 =	sadd.s32 $0x1, s11;
	[tilespmem:s14+$0x20] =	vst v2  }
0xd3: {  	s12 =	sadd.s32 $0x1400, s12;
	p1 =	sne.s32 s11, $0x14;
	[tilespmem:s14+$0xFFFFFFD0] =	vst v1  }
0xd4: {  	[spmem:s3] =	stream.indirect.scatter.add.f32 [tilespmem:s7], [sflag:$0x3], $0x80, s12, s6, $0xb8;
	[tilespmem:$0x1FC00] =	vst v63  }
.Ltmp6:
0xd5: {  	_ = 	snop;
	(pc) =	sbr.rel @p1 .LBB2_23-.Ltmp6, $4  }
.Ltmp7:
0xd6: {  	_ = 	snop;
	(pc) =	sbr.rel @!p1 .LBB2_28-.Ltmp7, $4  }
0xd7: {  	_ =	swait.ge [sflag:s30], $0x4000  }
0xd8: {  	[sflag:s30] =	ssyncset.done $0x0  }
0xd9: {  	[sflag:s30] =	ssyncadd.s32 $0xFFFFC000  }
0xda: {  	_ = 	snop  }
.LBB2_4:
0xdb: {  	s11 =	rddreg [dreg:$0x5]  }
0xdc: {  	[tilespmem:s10], [sflag:$0x3] =	stream.linear.gather [hbm4b:s11+s10], $0x1400, $0x38;
	[tilespmem:$0x1FC00] =	vst v63  }
0xdd: {  	_ =	swait.ge [sflag:s30], $0x1400  }
0xde: {  	[sflag:s30] =	ssyncset.done $0x0  }
0xdf: {  	s15 =	rddreg [dreg:$0x6];
	[sflag:s30] =	ssyncadd.s32 $0xFFFFEC00  }
0xe0: {  	[tilespmem:s31], [sflag:$0x3] =	stream.linear.gather [hbm4b:s15+s10], $0x1400, $0x38;
	[tilespmem:$0x1FC00] =	vst v63  }
0xe1: {  	_ =	swait.ge [sflag:s30], $0x1400  }
0xe2: {  	[sflag:s30] =	ssyncset.done $0x0  }
0xe3: {  	s16 =	rddreg [dreg:$0x7];
	[sflag:s30] =	ssyncadd.s32 $0xFFFFEC00  }
0xe4: {  	[tilespmem:s2], [sflag:$0x3] =	stream.linear.gather [hbm4b:s16+s10], $0x1400, $0x38;
	[tilespmem:$0x1FC00] =	vst v63  }
0xe5: {  	_ =	swait.ge [sflag:s30], $0x1400  }
0xe6: {  	[sflag:s30] =	ssyncset.done $0x0  }
0xe7: {  	s11 =	simm.s32 $0x0;
	[sflag:s30] =	ssyncadd.s32 $0xFFFFEC00  }
0xe8: {  	[tilespmem:s29], [sflag:$0x1] =	stream.indirect.gather [hbm4b:s1+s6], $0x80, s10, s6, $0xb8;
	[tilespmem:$0x1FC00] =	vst v63  }
.LBB2_5:
0xe9: {  	s12 =	sshllo.u32 s11, $0x1;
	s13 =	sshll.u32 s11, $0x8;
	v2 =	vmov s10  }
0xea: {  	s12 =	sshll.u32 s12, $0x7;
	v1 =	vmov s13;
	v2 =	vand.u32 $0x7F, v2  }
0xeb: {  	[tilespmem:s7], [sflag:$0x2] =	stream.indirect.gather [hbm4b:s1+s6], $0x80, s12, s6, $0xb8;
	v2 =	vadd.s32 v1, v2;
	[tilespmem:$0x1FC00] =	vst v63  }
0xec: {  	_ =	swait.ge [sflag:s8], $0x4000;
	v2 =	vbroadcast v2, $0x0  }
0xed: {  	[sflag:s8] =	ssyncset.done $0x0  }
0xee: {  	s13 =	simm.s32 $0x3C40;
	[sflag:s8] =	ssyncadd.s32 $0xFFFFC000  }
0xef: {  	v6 =	vld [tilespmem:s13+$0x30]  }
0xf0: {  	v9 =	vld [tilespmem:s13+$0x10]  }
0xf1: {  	v7 =	vld [tilespmem:s13+$0xFFFFFFC0]  }
0xf2: {  	v3 =	vld.idx.msk [tilespmem:v2+s2+$0x0], $0xffff  }
0xf3: {  	v12 =	vld [tilespmem:s13+$0xFFFFFFE0]  }
0xf4: {  	v4 =	vld [tilespmem:s13+$0x20]  }
0xf5: {  	v5 =	vld [tilespmem:s13+$0xFFFFFFD0]  }
0xf6: {  	v2 =	vld [tilespmem:s13+$0xFFFFFFF0]  }
0xf7: {  	v10 =	vmul.f32 v6, v3;
	v6 =	vld [tilespmem:s13+$0x0]  }
0xf8: {  	s14 =	simm.s32 $0x1;
	v8 =	vmul.f32 v7, v3  }
0xf9: {  	s15 =	simm.s32 $0x2;
	v11 =	vmov s14;
	s14 =	simm.s32 $0x3C40;
	v7 =	vmul.f32 v12, v3;
	v9 =	vmul.f32 v9, v3  }
.LBB2_6:
0xfa: {  	p1 =	sne.s32 s15, $0x7F  }
0xfb: {  	v11 =	vand.u32 $0x7F, v11;
	v5 =	vmul.f32 v5, v3;
	v4 =	vmul.f32 v4, v3;
	[tilespmem:s13+$0x30] =	vst v10;
	s14 =	sadd.s32 $0x80, s14;
	s16 =	smov.u32 s15;
	s15 =	sadd.s32 $0x1, s15  }
0xfc: {  	v10 =	vadd.s32 v1, v11;
	[tilespmem:s13+$0xFFFFFFC0] =	vst v8;
	v8 =	vmul.f32 v2, v3;
	v3 =	vmul.f32 v6, v3  }
0xfd: {  	v6 =	vbroadcast v10, $0x0;
	[tilespmem:s13+$0x10] =	vst v9  }
0xfe: {  	[tilespmem:s13+$0xFFFFFFE0] =	vst v7  }
0xff: {  	v2 =	vld [tilespmem:s14+$0xFFFFFFF0];
	[tilespmem:s13+$0xFFFFFFF0] =	vst v8  }
0x100: {  	v7 =	vld [tilespmem:s14+$0x30];
	[tilespmem:s13+$0x0] =	vst v3  }
0x101: {  	v9 =	vld [tilespmem:s14+$0x10];
	[tilespmem:s13+$0x20] =	vst v4  }
0x102: {  	v8 =	vld [tilespmem:s14+$0xFFFFFFC0];
	[tilespmem:s13+$0xFFFFFFD0] =	vst v5;
	s13 =	smov.u32 s14  }
0x103: {  	v3 =	vld.idx.msk [tilespmem:v6+s2+$0x0], $0xffff  }
0x104: {  	v12 =	vld [tilespmem:s14+$0xFFFFFFE0]  }
0x105: {  	v4 =	vld [tilespmem:s14+$0x20]  }
.Ltmp8:
0x106: {  	v5 =	vld [tilespmem:s14+$0xFFFFFFD0];
	(pc) =	sbr.rel @p1 .LBB2_6-.Ltmp8, $3  }
0x107: {  	v6 =	vld [tilespmem:s14+$0x0];
	_ =	sdelay $0x1  }
0x108: {  	v8 =	vmul.f32 v8, v3;
	v10 =	vmul.f32 v7, v3  }
0x109: {  	v11 =	vmov s16;
	v9 =	vmul.f32 v9, v3;
	v7 =	vmul.f32 v12, v3  }
0x10a: {  	[tilespmem:s13+$0xFFFFFFC0] =	vst v8;
	v8 =	vand.u32 $0x7F, v11  }
0x10b: {  	[tilespmem:s13+$0x30] =	vst v10;
	v1 =	vadd.s32 v1, v8  }
0x10c: {  	v2 =	vmul.f32 v2, v3;
	[tilespmem:s13+$0x10] =	vst v9;
	v1 =	vbroadcast v1, $0x0  }
0x10d: {  	s14 =	sadd.s32 $0x80, s14;
	[tilespmem:s13+$0xFFFFFFE0] =	vst v7;
	v6 =	vmul.f32 v6, v3  }
0x10e: {  	v4 =	vmul.f32 v4, v3;
	v7 =	vld [tilespmem:s14+$0xFFFFFFF0];
	[tilespmem:s13+$0xFFFFFFF0] =	vst v2  }
0x10f: {  	v3 =	vmul.f32 v5, v3;
	v2 =	vld [tilespmem:s14+$0x30];
	[tilespmem:s13+$0x0] =	vst v6  }
0x110: {  	v5 =	vld [tilespmem:s14+$0x10];
	[tilespmem:s13+$0x20] =	vst v4  }
0x111: {  	v4 =	vld [tilespmem:s14+$0xFFFFFFC0];
	[tilespmem:s13+$0xFFFFFFD0] =	vst v3  }
0x112: {  	v1 =	vld.idx.msk [tilespmem:v1+s2+$0x0], $0xffff;
	_ =	sdelay $0x2  }
0x113: {  	v3 =	vld [tilespmem:s14+$0xFFFFFFE0];
	_ =	sdelay $0x1  }
0x114: {  	v6 =	vld [tilespmem:s14+$0x0];
	v2 =	vmul.f32 v2, v1  }
0x115: {  	v8 =	vld [tilespmem:s14+$0x20];
	v4 =	vmul.f32 v4, v1  }
0x116: {  	v9 =	vld [tilespmem:s14+$0xFFFFFFD0];
	v5 =	vmul.f32 v5, v1;
	[tilespmem:s14+$0x30] =	vst v2  }
0x117: {  	v2 =	vmul.f32 v3, v1;
	[tilespmem:s14+$0xFFFFFFC0] =	vst v4  }
0x118: {  	v3 =	vmul.f32 v7, v1;
	[tilespmem:s14+$0x10] =	vst v5  }
0x119: {  	v4 =	vmul.f32 v6, v1;
	[tilespmem:s14+$0xFFFFFFE0] =	vst v2  }
0x11a: {  	v2 =	vmul.f32 v8, v1;
	[tilespmem:s14+$0xFFFFFFF0] =	vst v3  }
0x11b: {  	s13 =	sshll.u32 s11, $0xA;
	v1 =	vmul.f32 v9, v1;
	[tilespmem:s14+$0x0] =	vst v4  }
0x11c: {  	s15 =	sshrl.u32 s13, $0x2;
	[tilespmem:s14+$0x20] =	vst v2  }
0x11d: {  	p1 =	seq.s32 s11, $0x13;
	s16 =	sadd.s32 $0x1400, s15;
	[tilespmem:s14+$0xFFFFFFD0] =	vst v1  }
0x11e: {  	[spmem:s3] =	stream.indirect.scatter.add.f32 [tilespmem:s29], [sflag:$0x3], $0x80, s16, s6, $0xb8;
	[tilespmem:$0x1FC00] =	vst v63  }
0x11f: {  	s13 =	sshrl.u32 @!p1 s13, $0x2;
	s15 =	simm.s32 $0x0;
	_ =	swait.ge [sflag:s30], $0x4000  }
0x120: {  	s13 =	sadd.s32 @!p1 $0x100, s13;
	v2 =	vmov s15;
	[sflag:s30] =	ssyncset.done $0x0  }
0x121: {  	s14 =	simm.s32 @!p1 $0x80;
	s15 =	simm.s32 @!p1 $0x3C00;
	v1 =	vmov s12;
	v2 =	vand.u32 $0x7F, v2;
	[sflag:s30] =	ssyncadd.s32 $0xFFFFC000  }
0x122: {  	v2 =	vadd.s32 v1, v2;
	[tilespmem:s15], [sflag:$0x1] =	stream.indirect.gather @!p1 [hbm4b:s1+s14], $0x80, s13, s14, $0xb8;
	[tilespmem:$0x1FC00] =	vst v63  }
0x123: {  	v2 =	vbroadcast v2, $0x0;
	_ =	swait.ge [sflag:s9], $0x4000  }
0x124: {  	[sflag:s9] =	ssyncset.done $0x0  }
0x125: {  	s13 =	simm.s32 $0x7C40;
	[sflag:s9] =	ssyncadd.s32 $0xFFFFC000  }
0x126: {  	v6 =	vld [tilespmem:s13+$0x30]  }
0x127: {  	v9 =	vld [tilespmem:s13+$0x10]  }
0x128: {  	v7 =	vld [tilespmem:s13+$0xFFFFFFC0]  }
0x129: {  	v3 =	vld.idx.msk [tilespmem:v2+s2+$0x0], $0xffff  }
0x12a: {  	v12 =	vld [tilespmem:s13+$0xFFFFFFE0]  }
0x12b: {  	v2 =	vld [tilespmem:s13+$0xFFFFFFF0]  }
0x12c: {  	v4 =	vld [tilespmem:s13+$0x20]  }
0x12d: {  	v5 =	vld [tilespmem:s13+$0xFFFFFFD0]  }
0x12e: {  	v10 =	vmul.f32 v6, v3;
	v6 =	vld [tilespmem:s13+$0x0]  }
0x12f: {  	s16 =	simm.s32 $0x1;
	v8 =	vmul.f32 v7, v3  }
0x130: {  	v11 =	vmov s16;
	s15 =	simm.s32 $0x2;
	s14 =	simm.s32 $0x7C40;
	v7 =	vmul.f32 v12, v3;
	v9 =	vmul.f32 v9, v3  }
.LBB2_8:
0x131: {  	p1 =	sne.s32 s15, $0x7F  }
0x132: {  	v11 =	vand.u32 $0x7F, v11;
	v5 =	vmul.f32 v5, v3;
	v4 =	vmul.f32 v4, v3;
	[tilespmem:s13+$0x30] =	vst v10;
	s14 =	sadd.s32 $0x80, s14;
	s16 =	smov.u32 s15;
	s15 =	sadd.s32 $0x1, s15  }
0x133: {  	v10 =	vadd.s32 v1, v11;
	[tilespmem:s13+$0xFFFFFFC0] =	vst v8;
	v8 =	vmul.f32 v2, v3;
	v3 =	vmul.f32 v6, v3  }
0x134: {  	v6 =	vbroadcast v10, $0x0;
	[tilespmem:s13+$0x10] =	vst v9  }
0x135: {  	[tilespmem:s13+$0xFFFFFFE0] =	vst v7  }
0x136: {  	v2 =	vld [tilespmem:s14+$0xFFFFFFF0];
	[tilespmem:s13+$0xFFFFFFF0] =	vst v8  }
0x137: {  	v7 =	vld [tilespmem:s14+$0x30];
	[tilespmem:s13+$0x0] =	vst v3  }
0x138: {  	v9 =	vld [tilespmem:s14+$0x10];
	[tilespmem:s13+$0x20] =	vst v4  }
0x139: {  	v8 =	vld [tilespmem:s14+$0xFFFFFFC0];
	[tilespmem:s13+$0xFFFFFFD0] =	vst v5;
	s13 =	smov.u32 s14  }
0x13a: {  	v3 =	vld.idx.msk [tilespmem:v6+s2+$0x0], $0xffff  }
0x13b: {  	v12 =	vld [tilespmem:s14+$0xFFFFFFE0]  }
0x13c: {  	v4 =	vld [tilespmem:s14+$0x20]  }
.Ltmp9:
0x13d: {  	v5 =	vld [tilespmem:s14+$0xFFFFFFD0];
	(pc) =	sbr.rel @p1 .LBB2_8-.Ltmp9, $3  }
0x13e: {  	v6 =	vld [tilespmem:s14+$0x0];
	_ =	sdelay $0x1  }
0x13f: {  	v8 =	vmul.f32 v8, v3;
	v10 =	vmul.f32 v7, v3  }
0x140: {  	v11 =	vmov s16;
	v9 =	vmul.f32 v9, v3;
	v7 =	vmul.f32 v12, v3  }
0x141: {  	[tilespmem:s13+$0x30] =	vst v10;
	v58 =	vand.u32 $0x7F, v11  }
0x142: {  	[tilespmem:s13+$0xFFFFFFC0] =	vst v8;
	v1 =	vadd.s32 v1, v58  }
0x143: {  	v2 =	vmul.f32 v2, v3;
	[tilespmem:s13+$0x10] =	vst v9;
	v1 =	vbroadcast v1, $0x0  }
0x144: {  	s14 =	sadd.s32 $0x80, s14;
	[tilespmem:s13+$0xFFFFFFE0] =	vst v7;
	v6 =	vmul.f32 v6, v3  }
0x145: {  	v4 =	vmul.f32 v4, v3;
	v3 =	vmul.f32 v5, v3;
	v7 =	vld [tilespmem:s14+$0xFFFFFFF0];
	[tilespmem:s13+$0xFFFFFFF0] =	vst v2  }
0x146: {  	v2 =	vld [tilespmem:s14+$0x30];
	[tilespmem:s13+$0x0] =	vst v6  }
0x147: {  	v60 =	vld [tilespmem:s14+$0xFFFFFFC0];
	[tilespmem:s13+$0xFFFFFFD0] =	vst v3  }
0x148: {  	v59 =	vld [tilespmem:s14+$0x10];
	[tilespmem:s13+$0x20] =	vst v4  }
0x149: {  	v1 =	vld.idx.msk [tilespmem:v1+s2+$0x0], $0xffff;
	_ =	sdelay $0x2  }
0x14a: {  	v6 =	vld [tilespmem:s14+$0x0]  }
0x14b: {  	v3 =	vld [tilespmem:s14+$0xFFFFFFE0]  }
0x14c: {  	v2 =	vmul.f32 v2, v1  }
0x14d: {  	v61 =	vld [tilespmem:s14+$0x20];
	v4 =	vmul.f32 v60, v1  }
0x14e: {  	v62 =	vld [tilespmem:s14+$0xFFFFFFD0];
	v5 =	vmul.f32 v59, v1;
	[tilespmem:s14+$0x30] =	vst v2  }
0x14f: {  	v63 =	vmul.f32 v6, v1;
	[tilespmem:s14+$0xFFFFFFC0] =	vst v4  }
0x150: {  	v2 =	vmul.f32 v3, v1;
	[tilespmem:s14+$0x10] =	vst v5  }
0x151: {  	v3 =	vmul.f32 v7, v1;
	[tilespmem:s14+$0x0] =	vst v63  }
0x152: {  	[tilespmem:s14+$0xFFFFFFE0] =	vst v2;
	v2 =	vmul.f32 v61, v1  }
0x153: {  	s11 =	sadd.s32 $0x1, s11;
	[tilespmem:s14+$0xFFFFFFF0] =	vst v3;
	v1 =	vmul.f32 v62, v1  }
0x154: {  	p1 =	sne.s32 s11, $0x14;
	[tilespmem:s14+$0x20] =	vst v2  }
.Ltmp10:
0x155: {  	s12 =	sadd.s32 $0x1400, s12;
	[tilespmem:s14+$0xFFFFFFD0] =	vst v1;
	(pc) =	sbr.rel @p1 .LBB2_5-.Ltmp10, $4  }
0x156: {  	[spmem:s3] =	stream.indirect.scatter.add.f32 [tilespmem:s7], [sflag:$0x3], $0x80, s12, s6, $0xb8;
	[tilespmem:$0x1FC00] =	vst v63  }
0x157: {  	_ =	swait.ge [sflag:s30], $0x4000  }
0x158: {  	[sflag:s30] =	ssyncset.done $0x0  }
0x159: {  	[sflag:s30] =	ssyncadd.s32 $0xFFFFC000  }
0x15a: {  	s10 =	simm.s32 $0x0;
	s11 =	rddreg [dreg:$0x8]  }
0x15b: {  	[tilespmem:s10], [sflag:$0x3] =	stream.linear.gather [hbm4b:s11+s10], $0x1400, $0x38;
	[tilespmem:$0x1FC00] =	vst v63  }
0x15c: {  	_ =	swait.ge [sflag:s30], $0x1400  }
0x15d: {  	[sflag:s30] =	ssyncset.done $0x0  }
0x15e: {  	s15 =	rddreg [dreg:$0x9];
	[sflag:s30] =	ssyncadd.s32 $0xFFFFEC00  }
0x15f: {  	[tilespmem:s31], [sflag:$0x3] =	stream.linear.gather [hbm4b:s15+s10], $0x1400, $0x38;
	[tilespmem:$0x1FC00] =	vst v63  }
0x160: {  	_ =	swait.ge [sflag:s30], $0x1400  }
0x161: {  	[sflag:s30] =	ssyncset.done $0x0  }
0x162: {  	s16 =	rddreg [dreg:$0xa];
	[sflag:s30] =	ssyncadd.s32 $0xFFFFEC00  }
0x163: {  	[tilespmem:s2], [sflag:$0x3] =	stream.linear.gather [hbm4b:s16+s10], $0x1400, $0x38;
	[tilespmem:$0x1FC00] =	vst v63  }
0x164: {  	_ =	swait.ge [sflag:s30], $0x1400  }
0x165: {  	[sflag:s30] =	ssyncset.done $0x0  }
0x166: {  	s11 =	simm.s32 $0x0;
	[sflag:s30] =	ssyncadd.s32 $0xFFFFEC00  }
0x167: {  	[tilespmem:s29], [sflag:$0x1] =	stream.indirect.gather [hbm4b:s1+s6], $0x80, s10, s6, $0xb8;
	[tilespmem:$0x1FC00] =	vst v63  }
.LBB2_11:
0x168: {  	s12 =	sshllo.u32 s11, $0x1;
	s13 =	sshll.u32 s11, $0x8;
	v2 =	vmov s10  }
0x169: {  	s12 =	sshll.u32 s12, $0x7;
	v1 =	vmov s13;
	v2 =	vand.u32 $0x7F, v2  }
0x16a: {  	[tilespmem:s7], [sflag:$0x2] =	stream.indirect.gather [hbm4b:s1+s6], $0x80, s12, s6, $0xb8;
	v2 =	vadd.s32 v1, v2;
	[tilespmem:$0x1FC00] =	vst v63  }
0x16b: {  	_ =	swait.ge [sflag:s8], $0x4000;
	v2 =	vbroadcast v2, $0x0  }
0x16c: {  	[sflag:s8] =	ssyncset.done $0x0  }
0x16d: {  	s13 =	simm.s32 $0x3C40;
	[sflag:s8] =	ssyncadd.s32 $0xFFFFC000  }
0x16e: {  	v6 =	vld [tilespmem:s13+$0x30]  }
0x16f: {  	v9 =	vld [tilespmem:s13+$0x10]  }
0x170: {  	v7 =	vld [tilespmem:s13+$0xFFFFFFC0]  }
0x171: {  	v3 =	vld.idx.msk [tilespmem:v2+s2+$0x0], $0xffff  }
0x172: {  	v12 =	vld [tilespmem:s13+$0xFFFFFFE0]  }
0x173: {  	v4 =	vld [tilespmem:s13+$0x20]  }
0x174: {  	v5 =	vld [tilespmem:s13+$0xFFFFFFD0]  }
0x175: {  	v2 =	vld [tilespmem:s13+$0xFFFFFFF0]  }
0x176: {  	v10 =	vmul.f32 v6, v3;
	v6 =	vld [tilespmem:s13+$0x0]  }
0x177: {  	s14 =	simm.s32 $0x1;
	v8 =	vmul.f32 v7, v3  }
0x178: {  	s15 =	simm.s32 $0x2;
	v11 =	vmov s14;
	s14 =	simm.s32 $0x3C40;
	v7 =	vmul.f32 v12, v3;
	v9 =	vmul.f32 v9, v3  }
.LBB2_12:
0x179: {  	p1 =	sne.s32 s15, $0x7F  }
0x17a: {  	v11 =	vand.u32 $0x7F, v11;
	v5 =	vmul.f32 v5, v3;
	v4 =	vmul.f32 v4, v3;
	[tilespmem:s13+$0x30] =	vst v10;
	s14 =	sadd.s32 $0x80, s14;
	s16 =	smov.u32 s15;
	s15 =	sadd.s32 $0x1, s15  }
0x17b: {  	v10 =	vadd.s32 v1, v11;
	[tilespmem:s13+$0xFFFFFFC0] =	vst v8;
	v8 =	vmul.f32 v2, v3;
	v3 =	vmul.f32 v6, v3  }
0x17c: {  	v6 =	vbroadcast v10, $0x0;
	[tilespmem:s13+$0x10] =	vst v9  }
0x17d: {  	[tilespmem:s13+$0xFFFFFFE0] =	vst v7  }
0x17e: {  	v2 =	vld [tilespmem:s14+$0xFFFFFFF0];
	[tilespmem:s13+$0xFFFFFFF0] =	vst v8  }
0x17f: {  	v7 =	vld [tilespmem:s14+$0x30];
	[tilespmem:s13+$0x0] =	vst v3  }
0x180: {  	v9 =	vld [tilespmem:s14+$0x10];
	[tilespmem:s13+$0x20] =	vst v4  }
0x181: {  	v8 =	vld [tilespmem:s14+$0xFFFFFFC0];
	[tilespmem:s13+$0xFFFFFFD0] =	vst v5;
	s13 =	smov.u32 s14  }
0x182: {  	v3 =	vld.idx.msk [tilespmem:v6+s2+$0x0], $0xffff  }
0x183: {  	v12 =	vld [tilespmem:s14+$0xFFFFFFE0]  }
0x184: {  	v4 =	vld [tilespmem:s14+$0x20]  }
.Ltmp11:
0x185: {  	v5 =	vld [tilespmem:s14+$0xFFFFFFD0];
	(pc) =	sbr.rel @p1 .LBB2_12-.Ltmp11, $3  }
0x186: {  	v6 =	vld [tilespmem:s14+$0x0];
	_ =	sdelay $0x1  }
0x187: {  	v8 =	vmul.f32 v8, v3;
	v10 =	vmul.f32 v7, v3  }
0x188: {  	v11 =	vmov s16;
	v9 =	vmul.f32 v9, v3;
	v7 =	vmul.f32 v12, v3  }
0x189: {  	[tilespmem:s13+$0xFFFFFFC0] =	vst v8;
	v8 =	vand.u32 $0x7F, v11  }
0x18a: {  	[tilespmem:s13+$0x30] =	vst v10;
	v1 =	vadd.s32 v1, v8  }
0x18b: {  	v2 =	vmul.f32 v2, v3;
	[tilespmem:s13+$0x10] =	vst v9;
	v1 =	vbroadcast v1, $0x0  }
0x18c: {  	s14 =	sadd.s32 $0x80, s14;
	[tilespmem:s13+$0xFFFFFFE0] =	vst v7;
	v6 =	vmul.f32 v6, v3  }
0x18d: {  	v4 =	vmul.f32 v4, v3;
	v7 =	vld [tilespmem:s14+$0xFFFFFFF0];
	[tilespmem:s13+$0xFFFFFFF0] =	vst v2  }
0x18e: {  	v3 =	vmul.f32 v5, v3;
	v2 =	vld [tilespmem:s14+$0x30];
	[tilespmem:s13+$0x0] =	vst v6  }
0x18f: {  	v5 =	vld [tilespmem:s14+$0x10];
	[tilespmem:s13+$0x20] =	vst v4  }
0x190: {  	v4 =	vld [tilespmem:s14+$0xFFFFFFC0];
	[tilespmem:s13+$0xFFFFFFD0] =	vst v3  }
0x191: {  	v1 =	vld.idx.msk [tilespmem:v1+s2+$0x0], $0xffff;
	_ =	sdelay $0x2  }
0x192: {  	v3 =	vld [tilespmem:s14+$0xFFFFFFE0];
	_ =	sdelay $0x1  }
0x193: {  	v6 =	vld [tilespmem:s14+$0x0];
	v2 =	vmul.f32 v2, v1  }
0x194: {  	v8 =	vld [tilespmem:s14+$0x20];
	v4 =	vmul.f32 v4, v1  }
0x195: {  	v9 =	vld [tilespmem:s14+$0xFFFFFFD0];
	v5 =	vmul.f32 v5, v1;
	[tilespmem:s14+$0x30] =	vst v2  }
0x196: {  	v2 =	vmul.f32 v3, v1;
	[tilespmem:s14+$0xFFFFFFC0] =	vst v4  }
0x197: {  	v3 =	vmul.f32 v7, v1;
	[tilespmem:s14+$0x10] =	vst v5  }
0x198: {  	v4 =	vmul.f32 v6, v1;
	[tilespmem:s14+$0xFFFFFFE0] =	vst v2  }
0x199: {  	v2 =	vmul.f32 v8, v1;
	[tilespmem:s14+$0xFFFFFFF0] =	vst v3  }
0x19a: {  	s13 =	sshll.u32 s11, $0xA;
	v1 =	vmul.f32 v9, v1;
	[tilespmem:s14+$0x0] =	vst v4  }
0x19b: {  	s15 =	sshrl.u32 s13, $0x2;
	[tilespmem:s14+$0x20] =	vst v2  }
0x19c: {  	p1 =	seq.s32 s11, $0x13;
	s16 =	sadd.s32 $0x1400, s15;
	[tilespmem:s14+$0xFFFFFFD0] =	vst v1  }
0x19d: {  	[spmem:s3] =	stream.indirect.scatter.add.f32 [tilespmem:s29], [sflag:$0x3], $0x80, s16, s6, $0xb8;
	[tilespmem:$0x1FC00] =	vst v63  }
0x19e: {  	s13 =	sshrl.u32 @!p1 s13, $0x2;
	s15 =	simm.s32 $0x0;
	_ =	swait.ge [sflag:s30], $0x4000  }
0x19f: {  	s13 =	sadd.s32 @!p1 $0x100, s13;
	v2 =	vmov s15;
	[sflag:s30] =	ssyncset.done $0x0  }
0x1a0: {  	s14 =	simm.s32 @!p1 $0x80;
	s15 =	simm.s32 @!p1 $0x3C00;
	v1 =	vmov s12;
	v2 =	vand.u32 $0x7F, v2;
	[sflag:s30] =	ssyncadd.s32 $0xFFFFC000  }
0x1a1: {  	v2 =	vadd.s32 v1, v2;
	[tilespmem:s15], [sflag:$0x1] =	stream.indirect.gather @!p1 [hbm4b:s1+s14], $0x80, s13, s14, $0xb8;
	[tilespmem:$0x1FC00] =	vst v63  }
0x1a2: {  	v2 =	vbroadcast v2, $0x0;
	_ =	swait.ge [sflag:s9], $0x4000  }
0x1a3: {  	[sflag:s9] =	ssyncset.done $0x0  }
0x1a4: {  	s13 =	simm.s32 $0x7C40;
	[sflag:s9] =	ssyncadd.s32 $0xFFFFC000  }
0x1a5: {  	v6 =	vld [tilespmem:s13+$0x30]  }
0x1a6: {  	v9 =	vld [tilespmem:s13+$0x10]  }
0x1a7: {  	v7 =	vld [tilespmem:s13+$0xFFFFFFC0]  }
0x1a8: {  	v3 =	vld.idx.msk [tilespmem:v2+s2+$0x0], $0xffff  }
0x1a9: {  	v12 =	vld [tilespmem:s13+$0xFFFFFFE0]  }
0x1aa: {  	v2 =	vld [tilespmem:s13+$0xFFFFFFF0]  }
0x1ab: {  	v4 =	vld [tilespmem:s13+$0x20]  }
0x1ac: {  	v5 =	vld [tilespmem:s13+$0xFFFFFFD0]  }
0x1ad: {  	v10 =	vmul.f32 v6, v3;
	v6 =	vld [tilespmem:s13+$0x0]  }
0x1ae: {  	s16 =	simm.s32 $0x1;
	v8 =	vmul.f32 v7, v3  }
0x1af: {  	v11 =	vmov s16;
	s15 =	simm.s32 $0x2;
	s14 =	simm.s32 $0x7C40;
	v7 =	vmul.f32 v12, v3;
	v9 =	vmul.f32 v9, v3  }
.LBB2_14:
0x1b0: {  	p1 =	sne.s32 s15, $0x7F  }
0x1b1: {  	v11 =	vand.u32 $0x7F, v11;
	v5 =	vmul.f32 v5, v3;
	v4 =	vmul.f32 v4, v3;
	[tilespmem:s13+$0x30] =	vst v10;
	s14 =	sadd.s32 $0x80, s14;
	s16 =	smov.u32 s15;
	s15 =	sadd.s32 $0x1, s15  }
0x1b2: {  	v10 =	vadd.s32 v1, v11;
	[tilespmem:s13+$0xFFFFFFC0] =	vst v8;
	v8 =	vmul.f32 v2, v3;
	v3 =	vmul.f32 v6, v3  }
0x1b3: {  	v6 =	vbroadcast v10, $0x0;
	[tilespmem:s13+$0x10] =	vst v9  }
0x1b4: {  	[tilespmem:s13+$0xFFFFFFE0] =	vst v7  }
0x1b5: {  	v2 =	vld [tilespmem:s14+$0xFFFFFFF0];
	[tilespmem:s13+$0xFFFFFFF0] =	vst v8  }
0x1b6: {  	v7 =	vld [tilespmem:s14+$0x30];
	[tilespmem:s13+$0x0] =	vst v3  }
0x1b7: {  	v9 =	vld [tilespmem:s14+$0x10];
	[tilespmem:s13+$0x20] =	vst v4  }
0x1b8: {  	v8 =	vld [tilespmem:s14+$0xFFFFFFC0];
	[tilespmem:s13+$0xFFFFFFD0] =	vst v5;
	s13 =	smov.u32 s14  }
0x1b9: {  	v3 =	vld.idx.msk [tilespmem:v6+s2+$0x0], $0xffff  }
0x1ba: {  	v12 =	vld [tilespmem:s14+$0xFFFFFFE0]  }
0x1bb: {  	v4 =	vld [tilespmem:s14+$0x20]  }
.Ltmp12:
0x1bc: {  	v5 =	vld [tilespmem:s14+$0xFFFFFFD0];
	(pc) =	sbr.rel @p1 .LBB2_14-.Ltmp12, $3  }
0x1bd: {  	v6 =	vld [tilespmem:s14+$0x0];
	_ =	sdelay $0x1  }
0x1be: {  	v8 =	vmul.f32 v8, v3;
	v10 =	vmul.f32 v7, v3  }
0x1bf: {  	v11 =	vmov s16;
	v9 =	vmul.f32 v9, v3;
	v7 =	vmul.f32 v12, v3  }
0x1c0: {  	[tilespmem:s13+$0x30] =	vst v10;
	v58 =	vand.u32 $0x7F, v11  }
0x1c1: {  	[tilespmem:s13+$0xFFFFFFC0] =	vst v8;
	v1 =	vadd.s32 v1, v58  }
0x1c2: {  	v2 =	vmul.f32 v2, v3;
	[tilespmem:s13+$0x10] =	vst v9;
	v1 =	vbroadcast v1, $0x0  }
0x1c3: {  	s14 =	sadd.s32 $0x80, s14;
	[tilespmem:s13+$0xFFFFFFE0] =	vst v7;
	v6 =	vmul.f32 v6, v3  }
0x1c4: {  	v4 =	vmul.f32 v4, v3;
	v3 =	vmul.f32 v5, v3;
	v7 =	vld [tilespmem:s14+$0xFFFFFFF0];
	[tilespmem:s13+$0xFFFFFFF0] =	vst v2  }
0x1c5: {  	v2 =	vld [tilespmem:s14+$0x30];
	[tilespmem:s13+$0x0] =	vst v6  }
0x1c6: {  	v60 =	vld [tilespmem:s14+$0xFFFFFFC0];
	[tilespmem:s13+$0xFFFFFFD0] =	vst v3  }
0x1c7: {  	v59 =	vld [tilespmem:s14+$0x10];
	[tilespmem:s13+$0x20] =	vst v4  }
0x1c8: {  	v1 =	vld.idx.msk [tilespmem:v1+s2+$0x0], $0xffff;
	_ =	sdelay $0x2  }
0x1c9: {  	v6 =	vld [tilespmem:s14+$0x0]  }
0x1ca: {  	v3 =	vld [tilespmem:s14+$0xFFFFFFE0]  }
0x1cb: {  	v2 =	vmul.f32 v2, v1  }
0x1cc: {  	v61 =	vld [tilespmem:s14+$0x20];
	v4 =	vmul.f32 v60, v1  }
0x1cd: {  	v62 =	vld [tilespmem:s14+$0xFFFFFFD0];
	v5 =	vmul.f32 v59, v1;
	[tilespmem:s14+$0x30] =	vst v2  }
0x1ce: {  	v63 =	vmul.f32 v6, v1;
	[tilespmem:s14+$0xFFFFFFC0] =	vst v4  }
0x1cf: {  	v2 =	vmul.f32 v3, v1;
	[tilespmem:s14+$0x10] =	vst v5  }
0x1d0: {  	v3 =	vmul.f32 v7, v1;
	[tilespmem:s14+$0x0] =	vst v63  }
0x1d1: {  	[tilespmem:s14+$0xFFFFFFE0] =	vst v2;
	v2 =	vmul.f32 v61, v1  }
0x1d2: {  	s11 =	sadd.s32 $0x1, s11;
	[tilespmem:s14+$0xFFFFFFF0] =	vst v3;
	v1 =	vmul.f32 v62, v1  }
0x1d3: {  	p1 =	sne.s32 s11, $0x14;
	[tilespmem:s14+$0x20] =	vst v2  }
.Ltmp13:
0x1d4: {  	s12 =	sadd.s32 $0x1400, s12;
	[tilespmem:s14+$0xFFFFFFD0] =	vst v1;
	(pc) =	sbr.rel @p1 .LBB2_11-.Ltmp13, $4  }
0x1d5: {  	[spmem:s3] =	stream.indirect.scatter.add.f32 [tilespmem:s7], [sflag:$0x3], $0x80, s12, s6, $0xb8;
	[tilespmem:$0x1FC00] =	vst v63  }
0x1d6: {  	_ =	swait.ge [sflag:s30], $0x4000  }
0x1d7: {  	[sflag:s30] =	ssyncset.done $0x0  }
0x1d8: {  	[sflag:s30] =	ssyncadd.s32 $0xFFFFC000  }
0x1d9: {  	s10 =	simm.s32 $0x0;
	s11 =	rddreg [dreg:$0xb]  }
0x1da: {  	[tilespmem:s10], [sflag:$0x3] =	stream.linear.gather [hbm4b:s11+s10], $0x1400, $0x38;
	[tilespmem:$0x1FC00] =	vst v63  }
0x1db: {  	_ =	swait.ge [sflag:s30], $0x1400  }
0x1dc: {  	[sflag:s30] =	ssyncset.done $0x0  }
0x1dd: {  	s15 =	rddreg [dreg:$0xc];
	[sflag:s30] =	ssyncadd.s32 $0xFFFFEC00  }
0x1de: {  	[tilespmem:s31], [sflag:$0x3] =	stream.linear.gather [hbm4b:s15+s10], $0x1400, $0x38;
	[tilespmem:$0x1FC00] =	vst v63  }
0x1df: {  	_ =	swait.ge [sflag:s30], $0x1400  }
0x1e0: {  	[sflag:s30] =	ssyncset.done $0x0  }
0x1e1: {  	s16 =	rddreg [dreg:$0xd];
	[sflag:s30] =	ssyncadd.s32 $0xFFFFEC00  }
0x1e2: {  	[tilespmem:s2], [sflag:$0x3] =	stream.linear.gather [hbm4b:s16+s10], $0x1400, $0x38;
	[tilespmem:$0x1FC00] =	vst v63  }
0x1e3: {  	_ =	swait.ge [sflag:s30], $0x1400  }
0x1e4: {  	[sflag:s30] =	ssyncset.done $0x0  }
0x1e5: {  	s11 =	simm.s32 $0x0;
	[sflag:s30] =	ssyncadd.s32 $0xFFFFEC00  }
0x1e6: {  	[tilespmem:s29], [sflag:$0x1] =	stream.indirect.gather [hbm4b:s1+s6], $0x80, s10, s6, $0xb8;
	[tilespmem:$0x1FC00] =	vst v63  }
.LBB2_17:
0x1e7: {  	s12 =	sshllo.u32 s11, $0x1;
	s13 =	sshll.u32 s11, $0x8;
	v2 =	vmov s10  }
0x1e8: {  	s12 =	sshll.u32 s12, $0x7;
	v1 =	vmov s13;
	v2 =	vand.u32 $0x7F, v2  }
0x1e9: {  	[tilespmem:s7], [sflag:$0x2] =	stream.indirect.gather [hbm4b:s1+s6], $0x80, s12, s6, $0xb8;
	v2 =	vadd.s32 v1, v2;
	[tilespmem:$0x1FC00] =	vst v63  }
0x1ea: {  	_ =	swait.ge [sflag:s8], $0x4000;
	v2 =	vbroadcast v2, $0x0  }
0x1eb: {  	[sflag:s8] =	ssyncset.done $0x0  }
0x1ec: {  	s13 =	simm.s32 $0x3C40;
	[sflag:s8] =	ssyncadd.s32 $0xFFFFC000  }
0x1ed: {  	v6 =	vld [tilespmem:s13+$0x30]  }
0x1ee: {  	v9 =	vld [tilespmem:s13+$0x10]  }
0x1ef: {  	v7 =	vld [tilespmem:s13+$0xFFFFFFC0]  }
0x1f0: {  	v3 =	vld.idx.msk [tilespmem:v2+s2+$0x0], $0xffff  }
0x1f1: {  	v12 =	vld [tilespmem:s13+$0xFFFFFFE0]  }
0x1f2: {  	v4 =	vld [tilespmem:s13+$0x20]  }
0x1f3: {  	v5 =	vld [tilespmem:s13+$0xFFFFFFD0]  }
0x1f4: {  	v2 =	vld [tilespmem:s13+$0xFFFFFFF0]  }
0x1f5: {  	v10 =	vmul.f32 v6, v3;
	v6 =	vld [tilespmem:s13+$0x0]  }
0x1f6: {  	s14 =	simm.s32 $0x1;
	v8 =	vmul.f32 v7, v3  }
0x1f7: {  	s15 =	simm.s32 $0x2;
	v11 =	vmov s14;
	s14 =	simm.s32 $0x3C40;
	v7 =	vmul.f32 v12, v3;
	v9 =	vmul.f32 v9, v3  }
.LBB2_18:
0x1f8: {  	p1 =	sne.s32 s15, $0x7F  }
0x1f9: {  	v11 =	vand.u32 $0x7F, v11;
	v5 =	vmul.f32 v5, v3;
	v4 =	vmul.f32 v4, v3;
	[tilespmem:s13+$0x30] =	vst v10;
	s14 =	sadd.s32 $0x80, s14;
	s16 =	smov.u32 s15;
	s15 =	sadd.s32 $0x1, s15  }
0x1fa: {  	v10 =	vadd.s32 v1, v11;
	[tilespmem:s13+$0xFFFFFFC0] =	vst v8;
	v8 =	vmul.f32 v2, v3;
	v3 =	vmul.f32 v6, v3  }
0x1fb: {  	v6 =	vbroadcast v10, $0x0;
	[tilespmem:s13+$0x10] =	vst v9  }
0x1fc: {  	[tilespmem:s13+$0xFFFFFFE0] =	vst v7  }
0x1fd: {  	v2 =	vld [tilespmem:s14+$0xFFFFFFF0];
	[tilespmem:s13+$0xFFFFFFF0] =	vst v8  }
0x1fe: {  	v7 =	vld [tilespmem:s14+$0x30];
	[tilespmem:s13+$0x0] =	vst v3  }
0x1ff: {  	v9 =	vld [tilespmem:s14+$0x10];
	[tilespmem:s13+$0x20] =	vst v4  }
0x200: {  	v8 =	vld [tilespmem:s14+$0xFFFFFFC0];
	[tilespmem:s13+$0xFFFFFFD0] =	vst v5;
	s13 =	smov.u32 s14  }
0x201: {  	v3 =	vld.idx.msk [tilespmem:v6+s2+$0x0], $0xffff  }
0x202: {  	v12 =	vld [tilespmem:s14+$0xFFFFFFE0]  }
0x203: {  	v4 =	vld [tilespmem:s14+$0x20]  }
.Ltmp14:
0x204: {  	v5 =	vld [tilespmem:s14+$0xFFFFFFD0];
	(pc) =	sbr.rel @p1 .LBB2_18-.Ltmp14, $3  }
0x205: {  	v6 =	vld [tilespmem:s14+$0x0];
	_ =	sdelay $0x1  }
0x206: {  	v8 =	vmul.f32 v8, v3;
	v10 =	vmul.f32 v7, v3  }
0x207: {  	v11 =	vmov s16;
	v9 =	vmul.f32 v9, v3;
	v7 =	vmul.f32 v12, v3  }
0x208: {  	[tilespmem:s13+$0xFFFFFFC0] =	vst v8;
	v8 =	vand.u32 $0x7F, v11  }
0x209: {  	[tilespmem:s13+$0x30] =	vst v10;
	v1 =	vadd.s32 v1, v8  }
0x20a: {  	v2 =	vmul.f32 v2, v3;
	[tilespmem:s13+$0x10] =	vst v9;
	v1 =	vbroadcast v1, $0x0  }
0x20b: {  	s14 =	sadd.s32 $0x80, s14;
	[tilespmem:s13+$0xFFFFFFE0] =	vst v7;
	v6 =	vmul.f32 v6, v3  }
0x20c: {  	v4 =	vmul.f32 v4, v3;
	v7 =	vld [tilespmem:s14+$0xFFFFFFF0];
	[tilespmem:s13+$0xFFFFFFF0] =	vst v2  }
0x20d: {  	v3 =	vmul.f32 v5, v3;
	v2 =	vld [tilespmem:s14+$0x30];
	[tilespmem:s13+$0x0] =	vst v6  }
0x20e: {  	v5 =	vld [tilespmem:s14+$0x10];
	[tilespmem:s13+$0x20] =	vst v4  }
0x20f: {  	v4 =	vld [tilespmem:s14+$0xFFFFFFC0];
	[tilespmem:s13+$0xFFFFFFD0] =	vst v3  }
0x210: {  	v1 =	vld.idx.msk [tilespmem:v1+s2+$0x0], $0xffff;
	_ =	sdelay $0x2  }
0x211: {  	v3 =	vld [tilespmem:s14+$0xFFFFFFE0];
	_ =	sdelay $0x1  }
0x212: {  	v6 =	vld [tilespmem:s14+$0x0];
	v2 =	vmul.f32 v2, v1  }
0x213: {  	v8 =	vld [tilespmem:s14+$0x20];
	v4 =	vmul.f32 v4, v1  }
0x214: {  	v9 =	vld [tilespmem:s14+$0xFFFFFFD0];
	v5 =	vmul.f32 v5, v1;
	[tilespmem:s14+$0x30] =	vst v2  }
0x215: {  	v2 =	vmul.f32 v3, v1;
	[tilespmem:s14+$0xFFFFFFC0] =	vst v4  }
0x216: {  	v3 =	vmul.f32 v7, v1;
	[tilespmem:s14+$0x10] =	vst v5  }
0x217: {  	v4 =	vmul.f32 v6, v1;
	[tilespmem:s14+$0xFFFFFFE0] =	vst v2  }
0x218: {  	v2 =	vmul.f32 v8, v1;
	[tilespmem:s14+$0xFFFFFFF0] =	vst v3  }
0x219: {  	s13 =	sshll.u32 s11, $0xA;
	v1 =	vmul.f32 v9, v1;
	[tilespmem:s14+$0x0] =	vst v4  }
0x21a: {  	s15 =	sshrl.u32 s13, $0x2;
	[tilespmem:s14+$0x20] =	vst v2  }
0x21b: {  	p1 =	seq.s32 s11, $0x13;
	s16 =	sadd.s32 $0x1400, s15;
	[tilespmem:s14+$0xFFFFFFD0] =	vst v1  }
0x21c: {  	[spmem:s3] =	stream.indirect.scatter.add.f32 [tilespmem:s29], [sflag:$0x3], $0x80, s16, s6, $0xb8;
	[tilespmem:$0x1FC00] =	vst v63  }
0x21d: {  	s13 =	sshrl.u32 @!p1 s13, $0x2;
	s15 =	simm.s32 $0x0;
	_ =	swait.ge [sflag:s30], $0x4000  }
0x21e: {  	s13 =	sadd.s32 @!p1 $0x100, s13;
	v2 =	vmov s15;
	[sflag:s30] =	ssyncset.done $0x0  }
0x21f: {  	s14 =	simm.s32 @!p1 $0x80;
	s15 =	simm.s32 @!p1 $0x3C00;
	v1 =	vmov s12;
	v2 =	vand.u32 $0x7F, v2;
	[sflag:s30] =	ssyncadd.s32 $0xFFFFC000  }
0x220: {  	v2 =	vadd.s32 v1, v2;
	[tilespmem:s15], [sflag:$0x1] =	stream.indirect.gather @!p1 [hbm4b:s1+s14], $0x80, s13, s14, $0xb8;
	[tilespmem:$0x1FC00] =	vst v63  }
0x221: {  	v2 =	vbroadcast v2, $0x0;
	_ =	swait.ge [sflag:s9], $0x4000  }
0x222: {  	[sflag:s9] =	ssyncset.done $0x0  }
0x223: {  	s13 =	simm.s32 $0x7C40;
	[sflag:s9] =	ssyncadd.s32 $0xFFFFC000  }
0x224: {  	v6 =	vld [tilespmem:s13+$0x30]  }
0x225: {  	v9 =	vld [tilespmem:s13+$0x10]  }
0x226: {  	v7 =	vld [tilespmem:s13+$0xFFFFFFC0]  }
0x227: {  	v3 =	vld.idx.msk [tilespmem:v2+s2+$0x0], $0xffff  }
0x228: {  	v12 =	vld [tilespmem:s13+$0xFFFFFFE0]  }
0x229: {  	v2 =	vld [tilespmem:s13+$0xFFFFFFF0]  }
0x22a: {  	v4 =	vld [tilespmem:s13+$0x20]  }
0x22b: {  	v5 =	vld [tilespmem:s13+$0xFFFFFFD0]  }
0x22c: {  	v10 =	vmul.f32 v6, v3;
	v6 =	vld [tilespmem:s13+$0x0]  }
0x22d: {  	s16 =	simm.s32 $0x1;
	v8 =	vmul.f32 v7, v3  }
0x22e: {  	v11 =	vmov s16;
	s15 =	simm.s32 $0x2;
	s14 =	simm.s32 $0x7C40;
	v7 =	vmul.f32 v12, v3;
	v9 =	vmul.f32 v9, v3  }
.LBB2_20:
0x22f: {  	p1 =	sne.s32 s15, $0x7F  }
0x230: {  	v11 =	vand.u32 $0x7F, v11;
	v5 =	vmul.f32 v5, v3;
	v4 =	vmul.f32 v4, v3;
	[tilespmem:s13+$0x30] =	vst v10;
	s14 =	sadd.s32 $0x80, s14;
	s16 =	smov.u32 s15;
	s15 =	sadd.s32 $0x1, s15  }
0x231: {  	v10 =	vadd.s32 v1, v11;
	[tilespmem:s13+$0xFFFFFFC0] =	vst v8;
	v8 =	vmul.f32 v2, v3;
	v3 =	vmul.f32 v6, v3  }
0x232: {  	v6 =	vbroadcast v10, $0x0;
	[tilespmem:s13+$0x10] =	vst v9  }
0x233: {  	[tilespmem:s13+$0xFFFFFFE0] =	vst v7  }
0x234: {  	v2 =	vld [tilespmem:s14+$0xFFFFFFF0];
	[tilespmem:s13+$0xFFFFFFF0] =	vst v8  }
0x235: {  	v7 =	vld [tilespmem:s14+$0x30];
	[tilespmem:s13+$0x0] =	vst v3  }
0x236: {  	v9 =	vld [tilespmem:s14+$0x10];
	[tilespmem:s13+$0x20] =	vst v4  }
0x237: {  	v8 =	vld [tilespmem:s14+$0xFFFFFFC0];
	[tilespmem:s13+$0xFFFFFFD0] =	vst v5;
	s13 =	smov.u32 s14  }
0x238: {  	v3 =	vld.idx.msk [tilespmem:v6+s2+$0x0], $0xffff  }
0x239: {  	v12 =	vld [tilespmem:s14+$0xFFFFFFE0]  }
0x23a: {  	v4 =	vld [tilespmem:s14+$0x20]  }
.Ltmp15:
0x23b: {  	v5 =	vld [tilespmem:s14+$0xFFFFFFD0];
	(pc) =	sbr.rel @p1 .LBB2_20-.Ltmp15, $3  }
0x23c: {  	v6 =	vld [tilespmem:s14+$0x0];
	_ =	sdelay $0x1  }
0x23d: {  	v8 =	vmul.f32 v8, v3;
	v10 =	vmul.f32 v7, v3  }
0x23e: {  	v11 =	vmov s16;
	v9 =	vmul.f32 v9, v3;
	v7 =	vmul.f32 v12, v3  }
0x23f: {  	[tilespmem:s13+$0x30] =	vst v10;
	v58 =	vand.u32 $0x7F, v11  }
0x240: {  	[tilespmem:s13+$0xFFFFFFC0] =	vst v8;
	v1 =	vadd.s32 v1, v58  }
0x241: {  	v2 =	vmul.f32 v2, v3;
	[tilespmem:s13+$0x10] =	vst v9;
	v1 =	vbroadcast v1, $0x0  }
0x242: {  	s14 =	sadd.s32 $0x80, s14;
	[tilespmem:s13+$0xFFFFFFE0] =	vst v7;
	v6 =	vmul.f32 v6, v3  }
0x243: {  	v4 =	vmul.f32 v4, v3;
	v3 =	vmul.f32 v5, v3;
	v7 =	vld [tilespmem:s14+$0xFFFFFFF0];
	[tilespmem:s13+$0xFFFFFFF0] =	vst v2  }
0x244: {  	v2 =	vld [tilespmem:s14+$0x30];
	[tilespmem:s13+$0x0] =	vst v6  }
0x245: {  	v60 =	vld [tilespmem:s14+$0xFFFFFFC0];
	[tilespmem:s13+$0xFFFFFFD0] =	vst v3  }
0x246: {  	v59 =	vld [tilespmem:s14+$0x10];
	[tilespmem:s13+$0x20] =	vst v4  }
0x247: {  	v1 =	vld.idx.msk [tilespmem:v1+s2+$0x0], $0xffff;
	_ =	sdelay $0x2  }
0x248: {  	v6 =	vld [tilespmem:s14+$0x0]  }
0x249: {  	v3 =	vld [tilespmem:s14+$0xFFFFFFE0]  }
0x24a: {  	v2 =	vmul.f32 v2, v1  }
0x24b: {  	v61 =	vld [tilespmem:s14+$0x20];
	v4 =	vmul.f32 v60, v1  }
0x24c: {  	v62 =	vld [tilespmem:s14+$0xFFFFFFD0];
	v5 =	vmul.f32 v59, v1;
	[tilespmem:s14+$0x30] =	vst v2  }
0x24d: {  	v63 =	vmul.f32 v6, v1;
	[tilespmem:s14+$0xFFFFFFC0] =	vst v4  }
0x24e: {  	v2 =	vmul.f32 v3, v1;
	[tilespmem:s14+$0x10] =	vst v5  }
0x24f: {  	v3 =	vmul.f32 v7, v1;
	[tilespmem:s14+$0x0] =	vst v63  }
0x250: {  	[tilespmem:s14+$0xFFFFFFE0] =	vst v2;
	v2 =	vmul.f32 v61, v1  }
0x251: {  	[tilespmem:s14+$0xFFFFFFF0] =	vst v3;
	v1 =	vmul.f32 v62, v1  }
0x252: {  	s11 =	sadd.s32 $0x1, s11;
	[tilespmem:s14+$0x20] =	vst v2  }
0x253: {  	s12 =	sadd.s32 $0x1400, s12;
	p1 =	seq.s32 s11, $0x14;
	[tilespmem:s14+$0xFFFFFFD0] =	vst v1  }
0x254: {  	[spmem:s3] =	stream.indirect.scatter.add.f32 [tilespmem:s7], [sflag:$0x3], $0x80, s12, s6, $0xb8;
	[tilespmem:$0x1FC00] =	vst v63  }
.Ltmp16:
0x255: {  	_ = 	snop;
	(pc) =	sbr.rel @!p1 .LBB2_17-.Ltmp16, $4  }
.Ltmp17:
0x256: {  	_ = 	snop;
	(pc) =	sbr.rel @p1 .LBB2_28-.Ltmp17, $4  }
0x257: {  	_ =	swait.ge [sflag:s30], $0x4000  }
0x258: {  	[sflag:s30] =	ssyncset.done $0x0  }
0x259: {  	[sflag:s30] =	ssyncadd.s32 $0xFFFFC000  }
0x25a: {  	_ = 	snop  }
.LBB2_29:
0x25b: {  	_ =	sfence.sel $0x180000  }
0x25c: {  	[bflag:$0x0] =	sbarrier.arrive $0xFFFF  }
0x25d: {  	_ =	strace $0x90000047  }
0x25e: {  	[bflag:$0x2] =	sbarrier.arrive $0xFFFF  }
0x25f: {  	p0 =	sne.s32 s0, $0x0;
	s0 =	rddreg [dreg:$0x4]  }
0x260: {  	s0 =	sadd.s32 @!p0 $0x100000, s0  }
0x261: {  	[sflag:s0] =	ssyncadd.tile.s32 @!p0 $0x1;
	_ =	shalt  }
.Lfunc_end2:
_tile_overlayer_lowered:
.L_overlay_start_2:
0x262: {  	(tag) =	ssettag $0x2  }
0x263: {  	s0 =	rddreg [dreg:$0x0];
	s2 =	stileid.u32  }
0x264: {  	s1 =	rddreg [dreg:$0x1];
	p0 =	sne.s32 s2, $0x0  }
0x265: {  	s3 =	rddreg [dreg:$0x2];
	[bflag:$0x3] =	sbarrier.arrive $0xFFFF;
	s2 =	simm.s32 @!p0 $0x1C03  }
0x266: {  	[timem:s3], [sflag:s2] =	dma.local @!p0 [hbm:s0], s1  }
0x267: {  	s0 =	simm.s32 @!p0 $0x3  }
0x268: {  	_ =	swait.ge @!p0 [sflag:s0], s1  }
0x269: {  	s1 =	ssub.s32 @!p0 $0x0, s1;
	[sflag:s0] =	ssyncset.done @!p0 $0x0  }
0x26a: {  	[sflag:s0] =	ssyncadd.s32 @!p0 s1  }
0x26b: {  	[bflag:$0x3] =	sbarrier.arrive $0xFFFF  }
0x26c: {  	_ =	shalt  }

</sc_bundles>
